<compile_context>
chip_gen: v7x
topology: tpu7x:2x2x1
jax: 0.10.2.dev20260603
libtpu: 0.0.44.dev20260713+nightly
codegen_flags: <defaults>
</compile_context>

<pallas_src>
import functools

import jax
import jax.numpy as jnp
from jax import lax
from jax.experimental import pallas as pl
from jax.experimental.pallas import tpu as pltpu
from jax.experimental.pallas import tpu_sc as plsc

NC = 2
NS = 16
NW = NC * NS
LB = 128
BN = 1024


def _ceil_to(a, m):
    return (a + m - 1) // m * m


def _deg_kernel(n_pad, chunks):
    nr = n_pad // NS

    @functools.partial(
        pl.kernel,
        out_type=jax.ShapeDtypeStruct((NC, n_pad), jnp.float32),
        mesh=plsc.VectorSubcoreMesh(core_axis_name="c", subcore_axis_name="s"),
        scratch_types=[
            pltpu.VMEM((chunks, LB), jnp.int32),
            pltpu.VMEM((LB,), jnp.float32),
            pltpu.VMEM((nr,), jnp.float32),
            pltpu.VMEM_SHARED((n_pad,), jnp.float32),
        ],
    )
    def deg_kernel(dst_hbm, degp_hbm, idx_v, ones_v, wb_v, deg_sh):
        c = lax.axis_index("c")
        s = lax.axis_index("s")
        wid = c * NS + s
        ones16 = jnp.ones((16,), jnp.float32)
        zeros16 = jnp.zeros((16,), jnp.float32)
        for j in range(LB // 16):
            ones_v[pl.ds(j * 16, 16)] = ones16

        def zbody(i, carry):
            wb_v[pl.ds(i * 16, 16)] = zeros16
            return carry

        lax.fori_loop(0, nr // 16, zbody, 0)
        pltpu.sync_copy(wb_v, deg_sh.at[pl.ds(s * nr, nr)])
        pltpu.sync_copy(dst_hbm.at[wid], idx_v)
        plsc.subcore_barrier()

        def body(j, carry):
            pltpu.sync_copy(ones_v, deg_sh.at[idx_v.at[j]], add=True)
            return carry

        lax.fori_loop(0, chunks, body, 0)
        plsc.subcore_barrier()
        pltpu.sync_copy(deg_sh.at[pl.ds(s * nr, nr)], wb_v)
        pltpu.sync_copy(wb_v, degp_hbm.at[c, pl.ds(s * nr, nr)])

    return deg_kernel


def _agg_kernel(n_pad, tch, n_slow, slow_core):
    n_half = n_pad // 2
    nr = n_half // NS
    k_buf = 3
    n_fast = tch // NS - n_slow
    idx_rows = max(n_slow, n_fast)

    @functools.partial(
        pl.kernel,
        out_type=jax.ShapeDtypeStruct((NC, n_half, 128), jnp.float32),
        mesh=plsc.VectorSubcoreMesh(core_axis_name="c", subcore_axis_name="s"),
        scratch_types=[
            pltpu.VMEM((idx_rows, LB), jnp.int32),
            pltpu.VMEM((idx_rows, LB), jnp.int32),
            pltpu.VMEM((k_buf, LB, 128), jnp.float32),
            pltpu.VMEM_SHARED((n_half, 128), jnp.float32),
            pltpu.SemaphoreType.DMA((k_buf,)),
        ],
    )
    def agg_kernel(src_hbm, dst_hbm, hs2_hbm, accp_hbm,
                   isrc_v, idst_v, rows_v, acc_sh, sem):
        c = lax.axis_index("c")
        s = lax.axis_index("s")
        zeros16 = jnp.zeros((16,), jnp.float32)

        def zbody(r, carry):
            for k in range(128 // 16):
                rows_v[0, r, pl.ds(k * 16, 16)] = zeros16
            return carry

        lax.fori_loop(0, 64, zbody, 0)
        for k in range(nr // 64):
            pltpu.sync_copy(rows_v.at[0, pl.ds(0, 64)],
                            acc_sh.at[pl.ds(s * nr + k * 64, 64)])

        def pipeline(wid, npc):
            pltpu.sync_copy(src_hbm.at[wid], isrc_v)
            pltpu.sync_copy(dst_hbm.at[wid], idst_v)
            plsc.subcore_barrier()
            for j in range(k_buf):
                pltpu.async_copy(hs2_hbm.at[isrc_v.at[j]], rows_v.at[j],
                                 sem.at[j])

            def body(j, carry):
                buf = lax.rem(j, k_buf)
                pltpu.make_async_copy(hs2_hbm.at[isrc_v.at[j]], rows_v.at[buf],
                                      sem.at[buf]).wait()
                pltpu.sync_copy(rows_v.at[buf], acc_sh.at[idst_v.at[j]],
                                add=True)

                @pl.when(j + k_buf < npc)
                def _():
                    pltpu.async_copy(hs2_hbm.at[isrc_v.at[j + k_buf]],
                                     rows_v.at[buf], sem.at[buf])

                return carry

            lax.fori_loop(0, npc, body, 0)

        pipeline(c * NS + s, n_slow)

        plsc.subcore_barrier()
        for k in range(nr // 64):
            pltpu.sync_copy(acc_sh.at[pl.ds(s * nr + k * 64, 64)],
                            rows_v.at[0, pl.ds(0, 64)])
            pltpu.sync_copy(rows_v.at[0, pl.ds(0, 64)],
                            accp_hbm.at[c, pl.ds(s * nr + k * 64, 64)])

    return agg_kernel


def _matmul_scale(x_pad, W_pad, degp_t, n_pad):
    nfeat = x_pad.shape[1]

    def body(x_ref, w_ref, degp_ref, hs2_ref):
        degs = degp_ref[...]
        deg = degs[:, 0:1] + degs[:, 1:2] + 1.0
        dis = lax.rsqrt(deg)
        h = jnp.dot(x_ref[...], w_ref[...],
                    preferred_element_type=jnp.float32) * dis
        hs2_ref[:, 0, :] = h
        hs2_ref[:, 1, :] = jnp.concatenate([h[:, 64:], h[:, :64]], axis=1)

    return pl.pallas_call(
        body,
        grid=(n_pad // BN,),
        in_specs=[
            pl.BlockSpec((BN, nfeat), lambda i: (i, 0)),
            pl.BlockSpec((nfeat, 128), lambda i: (0, 0)),
            pl.BlockSpec((BN, NC), lambda i: (i, 0)),
        ],
        out_specs=pl.BlockSpec((BN, 2, 128), lambda i: (i, 0, 0)),
        out_shape=jax.ShapeDtypeStruct((n_pad, 2, 128), jnp.float32),
    )(x_pad, W_pad, degp_t)


def _combine(degp_t, accp64, hs2, n_pad, ncol):
    def body(degp_ref, accp_ref, hs2_ref, out_ref):
        degs = degp_ref[...]
        deg = degs[:, 0:1] + degs[:, 1:2] + 1.0
        dis = lax.rsqrt(deg)
        tot = accp_ref[0] + accp_ref[1] + hs2_ref[:, 0, :ncol]
        out_ref[...] = tot * dis

    return pl.pallas_call(
        body,
        grid=(n_pad // BN,),
        in_specs=[
            pl.BlockSpec((BN, NC), lambda i: (i, 0)),
            pl.BlockSpec((NC, BN, ncol), lambda i: (0, i, 0)),
            pl.BlockSpec((BN, 2, 128), lambda i: (i, 0, 0)),
        ],
        out_specs=pl.BlockSpec((BN, ncol), lambda i: (i, 0)),
        out_shape=jax.ShapeDtypeStruct((n_pad, ncol), jnp.float32),
    )(degp_t, accp64, hs2)


def kernel(x, edge_index, W):
    n = x.shape[0]
    e = edge_index.shape[1]
    n_pad = _ceil_to(n, BN * 2)
    e_pad = _ceil_to(e, NS * LB * 8)
    chunks = e_pad // (NW * LB)

    ei = edge_index.astype(jnp.int32)
    pad_e = e_pad - e
    trash = n + jnp.arange(pad_e, dtype=jnp.int32) % (n_pad - n)
    src = jnp.concatenate([ei[0], trash])
    dst = jnp.concatenate([ei[1], trash])
    tch = e_pad // LB
    gidx = (src * 2 + (dst & 1)).reshape(NW, chunks, LB)
    sidx = (dst >> 1).reshape(NW, chunks, LB)
    dst3 = dst.reshape(NW, chunks, LB)
    x_pad = jnp.pad(x, ((0, n_pad - n), (0, 0)))

    ncol = W.shape[1]
    W_pad = jnp.pad(W, ((0, 0), (0, 128 - ncol)))

    degp = _deg_kernel(n_pad, chunks)(dst3)
    degp_t = degp.T
    hs2 = _matmul_scale(x_pad, W_pad, degp_t, n_pad)
    hs2_flat = hs2.reshape(2 * n_pad, 128)
    n_slow = tch // NS // 2
    accp = _agg_kernel(n_pad, tch, n_slow, 1)(gidx, sidx, hs2_flat)
    accp64 = accp.reshape(NC, n_pad, 64)
    out = _combine(degp_t, accp64, hs2, n_pad, ncol)
    return out[:n]

# --- scband reference (transcript-rebuilt; emitter-appended) ---
"""Pipeline reference for scband-gcn-62199716381645 (READ-ONLY COPY).

The authoritative reference and input builder live on the scoring server;
editing this copy changes nothing except your own understanding.
"""

import jax, jax.numpy as jnp
import numpy as np

N_NODES = 10000
NFEAT = 128
NCLASS = 64
N_EDGES = 320000


def setup_inputs(seed: int = 0) -> dict:
    key = jax.random.key(seed)
    k1, k2, k3 = jax.random.split(key, 3)
    x = jax.random.normal(k1, (N_NODES, NFEAT), dtype=jnp.float32)
    edge_index = jax.random.randint(k2, (2, N_EDGES), 0, N_NODES, dtype=jnp.int64)
    # GCNConv weight (Linear(nfeat, nclass, bias=False)), glorot-style init
    W = jax.random.normal(k3, (NFEAT, NCLASS), dtype=jnp.float32) * (1.0 / np.sqrt(NFEAT))
    return {"x": x, "edge_index": edge_index, "W": W}


def reference(x, edge_index, W):
    # Faithful GCNConv (PyG semantics, bias=False):
    # 1) add self-loops, 2) linear transform, 3) symmetric normalization, 4) scatter-add aggregate
    N = x.shape[0]
    loop = jnp.arange(N, dtype=edge_index.dtype)
    src = jnp.concatenate([edge_index[0], loop])
    dst = jnp.concatenate([edge_index[1], loop])

    # degree computed on destination nodes (col) after adding self-loops
    deg = jnp.zeros((N,), dtype=x.dtype).at[dst].add(1.0)
    deg_inv_sqrt = jnp.where(deg > 0, deg ** -0.5, 0.0)
    norm = deg_inv_sqrt[src] * deg_inv_sqrt[dst]

    h = x @ W  # [N, nclass]
    msg = jnp.take(h, src, axis=0) * norm[:, None]  # gather + scale
    out = jnp.zeros((N, h.shape[1]), dtype=h.dtype).at[dst].add(msg)  # scatter-add
    return out

if __name__ == "__main__":
    import jax
    _d = setup_inputs()
    print(jax.jit(kernel)(*tuple(_d.values())))

</pallas_src>

<mosaic_0001>
#map = affine_map<(d0, d1) -> (0, 0, 0)>
#map1 = affine_map<(d0, d1) -> (0, 0)>
module attributes {stable_mosaic.version = 14 : i64} {
  func.func @deg_kernel(%arg0: i32, %arg1: i32, %arg2: memref<32x80x128xi32, #tpu.memory_space<hbm>>, %arg3: memref<2x10240xf32, #tpu.memory_space<hbm>>, %arg4: memref<80x128xi32, #tpu.memory_space<vmem>>, %arg5: memref<128xf32, #tpu.memory_space<vmem>>, %arg6: memref<640xf32, #tpu.memory_space<vmem>>, %arg7: memref<10240xf32, #tpu.memory_space<vmem_shared>>) attributes {dimension_semantics = [#tpu.dimension_semantics<core_parallel>, #tpu.dimension_semantics<subcore_parallel>], iteration_bounds = array<i64: 2, 16>, scalar_prefetch = 0 : i64, scratch_operands = 4 : i64, tpu.core_type = #tpu.core_type<sc_vector_subcore>, window_params = [{transform_indices = #map}, {transform_indices = #map1}]} {
    %mul3A = arith.constant 16 : i32
    %mul3A_0 = arith.muli %arg0, %mul3A : i32
    %add3A = arith.addi %mul3A_0, %arg1 : i32
    %broadcast_in_dim3A = arith.constant 1.000000e+00 : f32
    %broadcast_in_dim3A_1 = vector.broadcast %broadcast_in_dim3A : f32 to vector<16xf32>
    %broadcast_in_dim3A_2 = arith.constant 0.000000e+00 : f32
    %broadcast_in_dim3A_3 = vector.broadcast %broadcast_in_dim3A_2 : f32 to vector<16xf32>
    %swap3A = arith.constant 0 : index
    %swap3A_4 = tpu.vector_load %arg5[%swap3A] {strides = array<i32>} : memref<128xf32, #tpu.memory_space<vmem>>, vector<16xf32>,
    %swap3A_5 = vector.shape_cast %swap3A_4 : vector<16xf32> to vector<16xf32>
    %swap3A_6 = vector.shape_cast %broadcast_in_dim3A_1 : vector<16xf32> to vector<16xf32>
    tpu.vector_store %arg5[%swap3A], %swap3A_6 {strides = array<i32>} : memref<128xf32, #tpu.memory_space<vmem>>, vector<16xf32>,
    %swap3A_7 = arith.constant 16 : index
    %swap3A_8 = tpu.vector_load %arg5[%swap3A_7] {strides = array<i32>} : memref<128xf32, #tpu.memory_space<vmem>>, vector<16xf32>,
    %swap3A_9 = vector.shape_cast %swap3A_8 : vector<16xf32> to vector<16xf32>
    %swap3A_10 = vector.shape_cast %broadcast_in_dim3A_1 : vector<16xf32> to vector<16xf32>
    tpu.vector_store %arg5[%swap3A_7], %swap3A_10 {strides = array<i32>} : memref<128xf32, #tpu.memory_space<vmem>>, vector<16xf32>,
    %swap3A_11 = arith.constant 32 : index
    %swap3A_12 = tpu.vector_load %arg5[%swap3A_11] {strides = array<i32>} : memref<128xf32, #tpu.memory_space<vmem>>, vector<16xf32>,
    %swap3A_13 = vector.shape_cast %swap3A_12 : vector<16xf32> to vector<16xf32>
    %swap3A_14 = vector.shape_cast %broadcast_in_dim3A_1 : vector<16xf32> to vector<16xf32>
    tpu.vector_store %arg5[%swap3A_11], %swap3A_14 {strides = array<i32>} : memref<128xf32, #tpu.memory_space<vmem>>, vector<16xf32>,
    %swap3A_15 = arith.constant 48 : index
    %swap3A_16 = tpu.vector_load %arg5[%swap3A_15] {strides = array<i32>} : memref<128xf32, #tpu.memory_space<vmem>>, vector<16xf32>,
    %swap3A_17 = vector.shape_cast %swap3A_16 : vector<16xf32> to vector<16xf32>
    %swap3A_18 = vector.shape_cast %broadcast_in_dim3A_1 : vector<16xf32> to vector<16xf32>
    tpu.vector_store %arg5[%swap3A_15], %swap3A_18 {strides = array<i32>} : memref<128xf32, #tpu.memory_space<vmem>>, vector<16xf32>,
    %swap3A_19 = arith.constant 64 : index
    %swap3A_20 = tpu.vector_load %arg5[%swap3A_19] {strides = array<i32>} : memref<128xf32, #tpu.memory_space<vmem>>, vector<16xf32>,
    %swap3A_21 = vector.shape_cast %swap3A_20 : vector<16xf32> to vector<16xf32>
    %swap3A_22 = vector.shape_cast %broadcast_in_dim3A_1 : vector<16xf32> to vector<16xf32>
    tpu.vector_store %arg5[%swap3A_19], %swap3A_22 {strides = array<i32>} : memref<128xf32, #tpu.memory_space<vmem>>, vector<16xf32>,
    %swap3A_23 = arith.constant 80 : index
    %swap3A_24 = tpu.vector_load %arg5[%swap3A_23] {strides = array<i32>} : memref<128xf32, #tpu.memory_space<vmem>>, vector<16xf32>,
    %swap3A_25 = vector.shape_cast %swap3A_24 : vector<16xf32> to vector<16xf32>
    %swap3A_26 = vector.shape_cast %broadcast_in_dim3A_1 : vector<16xf32> to vector<16xf32>
    tpu.vector_store %arg5[%swap3A_23], %swap3A_26 {strides = array<i32>} : memref<128xf32, #tpu.memory_space<vmem>>, vector<16xf32>,
    %swap3A_27 = arith.constant 96 : index
    %swap3A_28 = tpu.vector_load %arg5[%swap3A_27] {strides = array<i32>} : memref<128xf32, #tpu.memory_space<vmem>>, vector<16xf32>,
    %swap3A_29 = vector.shape_cast %swap3A_28 : vector<16xf32> to vector<16xf32>
    %swap3A_30 = vector.shape_cast %broadcast_in_dim3A_1 : vector<16xf32> to vector<16xf32>
    tpu.vector_store %arg5[%swap3A_27], %swap3A_30 {strides = array<i32>} : memref<128xf32, #tpu.memory_space<vmem>>, vector<16xf32>,
    %swap3A_31 = arith.constant 112 : index
    %swap3A_32 = tpu.vector_load %arg5[%swap3A_31] {strides = array<i32>} : memref<128xf32, #tpu.memory_space<vmem>>, vector<16xf32>,
    %swap3A_33 = vector.shape_cast %swap3A_32 : vector<16xf32> to vector<16xf32>
    %swap3A_34 = vector.shape_cast %broadcast_in_dim3A_1 : vector<16xf32> to vector<16xf32>
    tpu.vector_store %arg5[%swap3A_31], %swap3A_34 {strides = array<i32>} : memref<128xf32, #tpu.memory_space<vmem>>, vector<16xf32>,
    %scan3A = arith.constant 0 : i32
    %scan3A_35 = arith.constant 0 : i32
    %scan3A_36 = arith.constant 40 : i32
    %scan3A_37 = arith.addi %scan3A_35, %scan3A_36 : i32
    %scan3A_38 = arith.constant 1 : i32
    scf.for %scan3A_53 = %scan3A_35 to %scan3A_37 step %scan3A_38  : i32 {
      %mul3A_54 = arith.constant 16 : i32
      %mul3A_55 = arith.muli %scan3A_53, %mul3A_54 : i32
      %swap3A_56 = arith.index_cast %mul3A_55 : i32 to index
      %swap3A_57 = tpu.vector_load %arg6[%swap3A_56] {strides = array<i32>} : memref<640xf32, #tpu.memory_space<vmem>>, vector<16xf32>,
      %swap3A_58 = vector.shape_cast %swap3A_57 : vector<16xf32> to vector<16xf32>
      %swap3A_59 = vector.shape_cast %broadcast_in_dim3A_3 : vector<16xf32> to vector<16xf32>
      tpu.vector_store %arg6[%swap3A_56], %swap3A_59 {strides = array<i32>} : memref<640xf32, #tpu.memory_space<vmem>>, vector<16xf32>,
    }
    %scan3A_39 = arith.constant 40 : i32
    %mul3A_40 = arith.constant 640 : i32
    %mul3A_41 = arith.muli %arg1, %mul3A_40 : i32
    "tpu.region"() ({
      %run_scoped3A = tpu.sem_alloc : memref<!tpu.dma_semaphore, #tpu.memory_space<semaphore_mem>>
      %dma_start3A = tpu.memref_slice %arg7[%mul3A_41] : memref<10240xf32, #tpu.memory_space<vmem_shared>> -> memref<640xf32, #tpu.memory_space<vmem_shared>>
      %dma_start3A_53 = tpu.memref_slice %arg7[%mul3A_41] : memref<10240xf32, #tpu.memory_space<vmem_shared>> -> memref<640xf32, #tpu.memory_space<vmem_shared>>
      tpu.enqueue_dma source(%arg6 : memref<640xf32, #tpu.memory_space<vmem>>) target(%dma_start3A_53 : memref<640xf32, #tpu.memory_space<vmem_shared>>) target_semaphore(%run_scoped3A : memref<!tpu.dma_semaphore, #tpu.memory_space<semaphore_mem>>)
      %dma_wait3A = tpu.memref_slice %arg7[%mul3A_41] : memref<10240xf32, #tpu.memory_space<vmem_shared>> -> memref<640xf32, #tpu.memory_space<vmem_shared>>
      %dma_wait3A_54 = tpu.memref_slice %arg7[%mul3A_41] : memref<10240xf32, #tpu.memory_space<vmem_shared>> -> memref<640xf32, #tpu.memory_space<vmem_shared>>
      tpu.wait_dma2 semaphore(%run_scoped3A : memref<!tpu.dma_semaphore, #tpu.memory_space<semaphore_mem>>) src(%arg6 : memref<640xf32, #tpu.memory_space<vmem>>) dst(%dma_wait3A_54 : memref<640xf32, #tpu.memory_space<vmem_shared>>)
      tpu.yield
    }) : () -> ()
    "tpu.region"() ({
      %run_scoped3A = tpu.sem_alloc : memref<!tpu.dma_semaphore, #tpu.memory_space<semaphore_mem>>
      %dma_start3A = arith.constant 0 : i32
      %dma_start3A_53 = arith.constant 0 : i32
      %dma_start3A_54 = tpu.memref_slice %arg2[%add3A, %dma_start3A, %dma_start3A_53] : memref<32x80x128xi32, #tpu.memory_space<hbm>> -> memref<1x80x128xi32, #tpu.memory_space<hbm>>
      %dma_start3A_55 = tpu.memref_squeeze %dma_start3A_54 : memref<1x80x128xi32, #tpu.memory_space<hbm>> -> memref<80x128xi32, #tpu.memory_space<hbm>>
      %dma_start3A_56 = arith.constant 0 : i32
      %dma_start3A_57 = arith.constant 0 : i32
      %dma_start3A_58 = tpu.memref_slice %arg2[%add3A, %dma_start3A_56, %dma_start3A_57] : memref<32x80x128xi32, #tpu.memory_space<hbm>> -> memref<1x80x128xi32, #tpu.memory_space<hbm>>
      %dma_start3A_59 = tpu.memref_squeeze %dma_start3A_58 : memref<1x80x128xi32, #tpu.memory_space<hbm>> -> memref<80x128xi32, #tpu.memory_space<hbm>>
      tpu.enqueue_dma source(%dma_start3A_59 : memref<80x128xi32, #tpu.memory_space<hbm>>) target(%arg4 : memref<80x128xi32, #tpu.memory_space<vmem>>) target_semaphore(%run_scoped3A : memref<!tpu.dma_semaphore, #tpu.memory_space<semaphore_mem>>)
      %dma_wait3A = arith.constant 0 : i32
      %dma_wait3A_60 = arith.constant 0 : i32
      %dma_wait3A_61 = tpu.memref_slice %arg2[%add3A, %dma_wait3A, %dma_wait3A_60] : memref<32x80x128xi32, #tpu.memory_space<hbm>> -> memref<1x80x128xi32, #tpu.memory_space<hbm>>
      %dma_wait3A_62 = tpu.memref_squeeze %dma_wait3A_61 : memref<1x80x128xi32, #tpu.memory_space<hbm>> -> memref<80x128xi32, #tpu.memory_space<hbm>>
      %dma_wait3A_63 = arith.constant 0 : i32
      %dma_wait3A_64 = arith.constant 0 : i32
      %dma_wait3A_65 = tpu.memref_slice %arg2[%add3A, %dma_wait3A_63, %dma_wait3A_64] : memref<32x80x128xi32, #tpu.memory_space<hbm>> -> memref<1x80x128xi32, #tpu.memory_space<hbm>>
      %dma_wait3A_66 = tpu.memref_squeeze %dma_wait3A_65 : memref<1x80x128xi32, #tpu.memory_space<hbm>> -> memref<80x128xi32, #tpu.memory_space<hbm>>
      tpu.wait_dma2 semaphore(%run_scoped3A : memref<!tpu.dma_semaphore, #tpu.memory_space<semaphore_mem>>) src(%dma_wait3A_66 : memref<80x128xi32, #tpu.memory_space<hbm>>) dst(%arg4 : memref<80x128xi32, #tpu.memory_space<vmem>>)
      tpu.yield
    }) : () -> ()
    %barrier3A = arith.constant 0 : index
    tpu.barrier barrier_id(%barrier3A)
    %scan3A_42 = arith.constant 0 : i32
    %scan3A_43 = arith.constant 0 : i32
    %scan3A_44 = arith.constant 80 : i32
    %scan3A_45 = arith.addi %scan3A_43, %scan3A_44 : i32
    %scan3A_46 = arith.constant 1 : i32
    scf.for %scan3A_53 = %scan3A_43 to %scan3A_45 step %scan3A_46  : i32 {
      "tpu.region"() ({
        %run_scoped3A = tpu.sem_alloc : memref<!tpu.dma_semaphore, #tpu.memory_space<semaphore_mem>>
        %dma_start3A = arith.constant 0 : i32
        %dma_start3A_54 = tpu.memref_slice %arg4[%scan3A_53, %dma_start3A] : memref<80x128xi32, #tpu.memory_space<vmem>> -> memref<1x128xi32, #tpu.memory_space<vmem>>
        %dma_start3A_55 = tpu.memref_squeeze %dma_start3A_54 : memref<1x128xi32, #tpu.memory_space<vmem>> -> memref<128xi32, #tpu.memory_space<vmem>>
        %dma_start3A_56 = arith.constant 0 : i32
        %dma_start3A_57 = tpu.memref_slice %arg7[%dma_start3A_56] : memref<10240xf32, #tpu.memory_space<vmem_shared>> -> memref<10240xf32, #tpu.memory_space<vmem_shared>>
        tpu.enqueue_indirect_dma source(%arg5 : memref<128xf32, #tpu.memory_space<vmem>>) target(%dma_start3A_57 : memref<10240xf32, #tpu.memory_space<vmem_shared>>) offsets(%dma_start3A_55 : memref<128xi32, #tpu.memory_space<vmem>>) semaphore(%run_scoped3A : memref<!tpu.dma_semaphore, #tpu.memory_space<semaphore_mem>>) {add = true}
        %dma_wait3A = arith.constant 0 : i32
        %dma_wait3A_58 = tpu.memref_slice %arg4[%scan3A_53, %dma_wait3A] : memref<80x128xi32, #tpu.memory_space<vmem>> -> memref<1x128xi32, #tpu.memory_space<vmem>>
        %dma_wait3A_59 = tpu.memref_squeeze %dma_wait3A_58 : memref<1x128xi32, #tpu.memory_space<vmem>> -> memref<128xi32, #tpu.memory_space<vmem>>
        %dma_wait3A_60 = arith.constant 0 : i32
        %dma_wait3A_61 = tpu.memref_slice %arg7[%dma_wait3A_60] : memref<10240xf32, #tpu.memory_space<vmem_shared>> -> memref<10240xf32, #tpu.memory_space<vmem_shared>>
        tpu.wait_indirect_dma semaphore(%run_scoped3A : memref<!tpu.dma_semaphore, #tpu.memory_space<semaphore_mem>>) src(%arg5 : memref<128xf32, #tpu.memory_space<vmem>>) dst(%dma_wait3A_61 : memref<10240xf32, #tpu.memory_space<vmem_shared>>)
        tpu.yield
      }) : () -> ()
    }
    %scan3A_47 = arith.constant 80 : i32
    %barrier3A_48 = arith.constant 0 : index
    tpu.barrier barrier_id(%barrier3A_48)
    %mul3A_49 = arith.constant 640 : i32
    %mul3A_50 = arith.muli %arg1, %mul3A_49 : i32
    "tpu.region"() ({
      %run_scoped3A = tpu.sem_alloc : memref<!tpu.dma_semaphore, #tpu.memory_space<semaphore_mem>>
      %dma_start3A = tpu.memref_slice %arg7[%mul3A_50] : memref<10240xf32, #tpu.memory_space<vmem_shared>> -> memref<640xf32, #tpu.memory_space<vmem_shared>>
      %dma_start3A_53 = tpu.memref_slice %arg7[%mul3A_50] : memref<10240xf32, #tpu.memory_space<vmem_shared>> -> memref<640xf32, #tpu.memory_space<vmem_shared>>
      tpu.enqueue_dma source(%dma_start3A_53 : memref<640xf32, #tpu.memory_space<vmem_shared>>) target(%arg6 : memref<640xf32, #tpu.memory_space<vmem>>) target_semaphore(%run_scoped3A : memref<!tpu.dma_semaphore, #tpu.memory_space<semaphore_mem>>)
      %dma_wait3A = tpu.memref_slice %arg7[%mul3A_50] : memref<10240xf32, #tpu.memory_space<vmem_shared>> -> memref<640xf32, #tpu.memory_space<vmem_shared>>
      %dma_wait3A_54 = tpu.memref_slice %arg7[%mul3A_50] : memref<10240xf32, #tpu.memory_space<vmem_shared>> -> memref<640xf32, #tpu.memory_space<vmem_shared>>
      tpu.wait_dma2 semaphore(%run_scoped3A : memref<!tpu.dma_semaphore, #tpu.memory_space<semaphore_mem>>) src(%dma_wait3A_54 : memref<640xf32, #tpu.memory_space<vmem_shared>>) dst(%arg6 : memref<640xf32, #tpu.memory_space<vmem>>)
      tpu.yield
    }) : () -> ()
    %mul3A_51 = arith.constant 640 : i32
    %mul3A_52 = arith.muli %arg1, %mul3A_51 : i32
    "tpu.region"() ({
      %run_scoped3A = tpu.sem_alloc : memref<!tpu.dma_semaphore, #tpu.memory_space<semaphore_mem>>
      %dma_start3A = tpu.memref_slice %arg3[%arg0, %mul3A_52] : memref<2x10240xf32, #tpu.memory_space<hbm>> -> memref<1x640xf32, #tpu.memory_space<hbm>>
      %dma_start3A_53 = tpu.memref_squeeze %dma_start3A : memref<1x640xf32, #tpu.memory_space<hbm>> -> memref<640xf32, #tpu.memory_space<hbm>>
      %dma_start3A_54 = tpu.memref_slice %arg3[%arg0, %mul3A_52] : memref<2x10240xf32, #tpu.memory_space<hbm>> -> memref<1x640xf32, #tpu.memory_space<hbm>>
      %dma_start3A_55 = tpu.memref_squeeze %dma_start3A_54 : memref<1x640xf32, #tpu.memory_space<hbm>> -> memref<640xf32, #tpu.memory_space<hbm>>
      tpu.enqueue_dma source(%arg6 : memref<640xf32, #tpu.memory_space<vmem>>) target(%dma_start3A_55 : memref<640xf32, #tpu.memory_space<hbm>>) target_semaphore(%run_scoped3A : memref<!tpu.dma_semaphore, #tpu.memory_space<semaphore_mem>>)
      %dma_wait3A = tpu.memref_slice %arg3[%arg0, %mul3A_52] : memref<2x10240xf32, #tpu.memory_space<hbm>> -> memref<1x640xf32, #tpu.memory_space<hbm>>
      %dma_wait3A_56 = tpu.memref_squeeze %dma_wait3A : memref<1x640xf32, #tpu.memory_space<hbm>> -> memref<640xf32, #tpu.memory_space<hbm>>
      %dma_wait3A_57 = tpu.memref_slice %arg3[%arg0, %mul3A_52] : memref<2x10240xf32, #tpu.memory_space<hbm>> -> memref<1x640xf32, #tpu.memory_space<hbm>>
      %dma_wait3A_58 = tpu.memref_squeeze %dma_wait3A_57 : memref<1x640xf32, #tpu.memory_space<hbm>> -> memref<640xf32, #tpu.memory_space<hbm>>
      tpu.wait_dma2 semaphore(%run_scoped3A : memref<!tpu.dma_semaphore, #tpu.memory_space<semaphore_mem>>) src(%arg6 : memref<640xf32, #tpu.memory_space<vmem>>) dst(%dma_wait3A_58 : memref<640xf32, #tpu.memory_space<hbm>>)
      tpu.yield
    }) : () -> ()
    return
  }
}

#map = affine_map<(d0, d1) -> (0, 0, 0)>
#map1 = affine_map<(d0, d1) -> (0, 0)>
module attributes {stable_mosaic.version = 14 : i64} {
  func.func @agg_kernel(%arg0: i32, %arg1: i32, %arg2: memref<32x80x128xi32, #tpu.memory_space<hbm>>, %arg3: memref<32x80x128xi32, #tpu.memory_space<hbm>>, %arg4: memref<20480x128xf32, #tpu.memory_space<hbm>>, %arg5: memref<2x5120x128xf32, #tpu.memory_space<hbm>>, %arg6: memref<80x128xi32, #tpu.memory_space<vmem>>, %arg7: memref<80x128xi32, #tpu.memory_space<vmem>>, %arg8: memref<3x128x128xf32, #tpu.memory_space<vmem>>, %arg9: memref<5120x128xf32, #tpu.memory_space<vmem_shared>>, %arg10: memref<3x!tpu.dma_semaphore, #tpu.memory_space<semaphore_mem>>) attributes {dimension_semantics = [#tpu.dimension_semantics<core_parallel>, #tpu.dimension_semantics<subcore_parallel>], iteration_bounds = array<i64: 2, 16>, scalar_prefetch = 0 : i64, scratch_operands = 5 : i64, tpu.core_type = #tpu.core_type<sc_vector_subcore>, window_params = [{transform_indices = #map}, {transform_indices = #map}, {transform_indices = #map1}, {transform_indices = #map}]} {
    %broadcast_in_dim3A = arith.constant 0.000000e+00 : f32
    %broadcast_in_dim3A_0 = vector.broadcast %broadcast_in_dim3A : f32 to vector<16xf32>
    %scan3A = arith.constant 0 : i32
    %scan3A_1 = arith.constant 0 : i32
    %scan3A_2 = arith.constant 64 : i32
    %scan3A_3 = arith.addi %scan3A_1, %scan3A_2 : i32
    %scan3A_4 = arith.constant 1 : i32
    scf.for %scan3A_132 = %scan3A_1 to %scan3A_3 step %scan3A_4  : i32 {
      %swap3A = arith.constant 0 : i32
      %swap3A_133 = arith.index_cast %swap3A : i32 to index
      %swap3A_134 = arith.index_cast %scan3A_132 : i32 to index
      %swap3A_135 = arith.constant 0 : index
      %swap3A_136 = tpu.vector_load %arg8[%swap3A_133, %swap3A_134, %swap3A_135] {strides = array<i32>} : memref<3x128x128xf32, #tpu.memory_space<vmem>>, vector<1x1x16xf32>,
      %swap3A_137 = vector.shape_cast %swap3A_136 : vector<1x1x16xf32> to vector<16xf32>
      %swap3A_138 = vector.shape_cast %broadcast_in_dim3A_0 : vector<16xf32> to vector<1x1x16xf32>
      tpu.vector_store %arg8[%swap3A_133, %swap3A_134, %swap3A_135], %swap3A_138 {strides = array<i32>} : memref<3x128x128xf32, #tpu.memory_space<vmem>>, vector<1x1x16xf32>,
      %swap3A_139 = arith.constant 0 : i32
      %swap3A_140 = arith.index_cast %swap3A_139 : i32 to index
      %swap3A_141 = arith.index_cast %scan3A_132 : i32 to index
      %swap3A_142 = arith.constant 16 : index
      %swap3A_143 = tpu.vector_load %arg8[%swap3A_140, %swap3A_141, %swap3A_142] {strides = array<i32>} : memref<3x128x128xf32, #tpu.memory_space<vmem>>, vector<1x1x16xf32>,
      %swap3A_144 = vector.shape_cast %swap3A_143 : vector<1x1x16xf32> to vector<16xf32>
      %swap3A_145 = vector.shape_cast %broadcast_in_dim3A_0 : vector<16xf32> to vector<1x1x16xf32>
      tpu.vector_store %arg8[%swap3A_140, %swap3A_141, %swap3A_142], %swap3A_145 {strides = array<i32>} : memref<3x128x128xf32, #tpu.memory_space<vmem>>, vector<1x1x16xf32>,
      %swap3A_146 = arith.constant 0 : i32
      %swap3A_147 = arith.index_cast %swap3A_146 : i32 to index
      %swap3A_148 = arith.index_cast %scan3A_132 : i32 to index
      %swap3A_149 = arith.constant 32 : index
      %swap3A_150 = tpu.vector_load %arg8[%swap3A_147, %swap3A_148, %swap3A_149] {strides = array<i32>} : memref<3x128x128xf32, #tpu.memory_space<vmem>>, vector<1x1x16xf32>,
      %swap3A_151 = vector.shape_cast %swap3A_150 : vector<1x1x16xf32> to vector<16xf32>
      %swap3A_152 = vector.shape_cast %broadcast_in_dim3A_0 : vector<16xf32> to vector<1x1x16xf32>
      tpu.vector_store %arg8[%swap3A_147, %swap3A_148, %swap3A_149], %swap3A_152 {strides = array<i32>} : memref<3x128x128xf32, #tpu.memory_space<vmem>>, vector<1x1x16xf32>,
      %swap3A_153 = arith.constant 0 : i32
      %swap3A_154 = arith.index_cast %swap3A_153 : i32 to index
      %swap3A_155 = arith.index_cast %scan3A_132 : i32 to index
      %swap3A_156 = arith.constant 48 : index
      %swap3A_157 = tpu.vector_load %arg8[%swap3A_154, %swap3A_155, %swap3A_156] {strides = array<i32>} : memref<3x128x128xf32, #tpu.memory_space<vmem>>, vector<1x1x16xf32>,
      %swap3A_158 = vector.shape_cast %swap3A_157 : vector<1x1x16xf32> to vector<16xf32>
      %swap3A_159 = vector.shape_cast %broadcast_in_dim3A_0 : vector<16xf32> to vector<1x1x16xf32>
      tpu.vector_store %arg8[%swap3A_154, %swap3A_155, %swap3A_156], %swap3A_159 {strides = array<i32>} : memref<3x128x128xf32, #tpu.memory_space<vmem>>, vector<1x1x16xf32>,
      %swap3A_160 = arith.constant 0 : i32
      %swap3A_161 = arith.index_cast %swap3A_160 : i32 to index
      %swap3A_162 = arith.index_cast %scan3A_132 : i32 to index
      %swap3A_163 = arith.constant 64 : index
      %swap3A_164 = tpu.vector_load %arg8[%swap3A_161, %swap3A_162, %swap3A_163] {strides = array<i32>} : memref<3x128x128xf32, #tpu.memory_space<vmem>>, vector<1x1x16xf32>,
      %swap3A_165 = vector.shape_cast %swap3A_164 : vector<1x1x16xf32> to vector<16xf32>
      %swap3A_166 = vector.shape_cast %broadcast_in_dim3A_0 : vector<16xf32> to vector<1x1x16xf32>
      tpu.vector_store %arg8[%swap3A_161, %swap3A_162, %swap3A_163], %swap3A_166 {strides = array<i32>} : memref<3x128x128xf32, #tpu.memory_space<vmem>>, vector<1x1x16xf32>,
      %swap3A_167 = arith.constant 0 : i32
      %swap3A_168 = arith.index_cast %swap3A_167 : i32 to index
      %swap3A_169 = arith.index_cast %scan3A_132 : i32 to index
      %swap3A_170 = arith.constant 80 : index
      %swap3A_171 = tpu.vector_load %arg8[%swap3A_168, %swap3A_169, %swap3A_170] {strides = array<i32>} : memref<3x128x128xf32, #tpu.memory_space<vmem>>, vector<1x1x16xf32>,
      %swap3A_172 = vector.shape_cast %swap3A_171 : vector<1x1x16xf32> to vector<16xf32>
      %swap3A_173 = vector.shape_cast %broadcast_in_dim3A_0 : vector<16xf32> to vector<1x1x16xf32>
      tpu.vector_store %arg8[%swap3A_168, %swap3A_169, %swap3A_170], %swap3A_173 {strides = array<i32>} : memref<3x128x128xf32, #tpu.memory_space<vmem>>, vector<1x1x16xf32>,
      %swap3A_174 = arith.constant 0 : i32
      %swap3A_175 = arith.index_cast %swap3A_174 : i32 to index
      %swap3A_176 = arith.index_cast %scan3A_132 : i32 to index
      %swap3A_177 = arith.constant 96 : index
      %swap3A_178 = tpu.vector_load %arg8[%swap3A_175, %swap3A_176, %swap3A_177] {strides = array<i32>} : memref<3x128x128xf32, #tpu.memory_space<vmem>>, vector<1x1x16xf32>,
      %swap3A_179 = vector.shape_cast %swap3A_178 : vector<1x1x16xf32> to vector<16xf32>
      %swap3A_180 = vector.shape_cast %broadcast_in_dim3A_0 : vector<16xf32> to vector<1x1x16xf32>
      tpu.vector_store %arg8[%swap3A_175, %swap3A_176, %swap3A_177], %swap3A_180 {strides = array<i32>} : memref<3x128x128xf32, #tpu.memory_space<vmem>>, vector<1x1x16xf32>,
      %swap3A_181 = arith.constant 0 : i32
      %swap3A_182 = arith.index_cast %swap3A_181 : i32 to index
      %swap3A_183 = arith.index_cast %scan3A_132 : i32 to index
      %swap3A_184 = arith.constant 112 : index
      %swap3A_185 = tpu.vector_load %arg8[%swap3A_182, %swap3A_183, %swap3A_184] {strides = array<i32>} : memref<3x128x128xf32, #tpu.memory_space<vmem>>, vector<1x1x16xf32>,
      %swap3A_186 = vector.shape_cast %swap3A_185 : vector<1x1x16xf32> to vector<16xf32>
      %swap3A_187 = vector.shape_cast %broadcast_in_dim3A_0 : vector<16xf32> to vector<1x1x16xf32>
      tpu.vector_store %arg8[%swap3A_182, %swap3A_183, %swap3A_184], %swap3A_187 {strides = array<i32>} : memref<3x128x128xf32, #tpu.memory_space<vmem>>, vector<1x1x16xf32>,
    }
    %scan3A_5 = arith.constant 64 : i32
    %mul3A = arith.constant 320 : i32
    %mul3A_6 = arith.muli %arg1, %mul3A : i32
    %add3A = arith.constant 0 : i32
    %add3A_7 = arith.addi %mul3A_6, %add3A : i32
    %run_scoped3A = arith.constant 0 : i32
    "tpu.region"() ({
      %run_scoped3A_132 = tpu.sem_alloc : memref<!tpu.dma_semaphore, #tpu.memory_space<semaphore_mem>>
      %dma_start3A_133 = arith.constant 0 : i32
      %dma_start3A_134 = arith.constant 0 : i32
      %dma_start3A_135 = tpu.memref_slice %arg8[%run_scoped3A, %dma_start3A_133, %dma_start3A_134] : memref<3x128x128xf32, #tpu.memory_space<vmem>> -> memref<1x64x128xf32, #tpu.memory_space<vmem>>
      %dma_start3A_136 = tpu.memref_squeeze %dma_start3A_135 : memref<1x64x128xf32, #tpu.memory_space<vmem>> -> memref<64x128xf32, #tpu.memory_space<vmem>>
      %dma_start3A_137 = arith.constant 0 : i32
      %dma_start3A_138 = tpu.memref_slice %arg9[%add3A_7, %dma_start3A_137] : memref<5120x128xf32, #tpu.memory_space<vmem_shared>> -> memref<64x128xf32, #tpu.memory_space<vmem_shared>>
      %dma_start3A_139 = arith.constant 0 : i32
      %dma_start3A_140 = tpu.memref_slice %arg9[%add3A_7, %dma_start3A_139] : memref<5120x128xf32, #tpu.memory_space<vmem_shared>> -> memref<64x128xf32, #tpu.memory_space<vmem_shared>>
      %dma_start3A_141 = arith.constant 0 : i32
      %dma_start3A_142 = arith.constant 0 : i32
      %dma_start3A_143 = tpu.memref_slice %arg8[%run_scoped3A, %dma_start3A_141, %dma_start3A_142] : memref<3x128x128xf32, #tpu.memory_space<vmem>> -> memref<1x64x128xf32, #tpu.memory_space<vmem>>
      %dma_start3A_144 = tpu.memref_squeeze %dma_start3A_143 : memref<1x64x128xf32, #tpu.memory_space<vmem>> -> memref<64x128xf32, #tpu.memory_space<vmem>>
      tpu.enqueue_dma source(%dma_start3A_144 : memref<64x128xf32, #tpu.memory_space<vmem>>) target(%dma_start3A_140 : memref<64x128xf32, #tpu.memory_space<vmem_shared>>) target_semaphore(%run_scoped3A_132 : memref<!tpu.dma_semaphore, #tpu.memory_space<semaphore_mem>>)
      %dma_wait3A = arith.constant 0 : i32
      %dma_wait3A_145 = arith.constant 0 : i32
      %dma_wait3A_146 = tpu.memref_slice %arg8[%run_scoped3A, %dma_wait3A, %dma_wait3A_145] : memref<3x128x128xf32, #tpu.memory_space<vmem>> -> memref<1x64x128xf32, #tpu.memory_space<vmem>>
      %dma_wait3A_147 = tpu.memref_squeeze %dma_wait3A_146 : memref<1x64x128xf32, #tpu.memory_space<vmem>> -> memref<64x128xf32, #tpu.memory_space<vmem>>
      %dma_wait3A_148 = arith.constant 0 : i32
      %dma_wait3A_149 = tpu.memref_slice %arg9[%add3A_7, %dma_wait3A_148] : memref<5120x128xf32, #tpu.memory_space<vmem_shared>> -> memref<64x128xf32, #tpu.memory_space<vmem_shared>>
      %dma_wait3A_150 = arith.constant 0 : i32
      %dma_wait3A_151 = tpu.memref_slice %arg9[%add3A_7, %dma_wait3A_150] : memref<5120x128xf32, #tpu.memory_space<vmem_shared>> -> memref<64x128xf32, #tpu.memory_space<vmem_shared>>
      %dma_wait3A_152 = arith.constant 0 : i32
      %dma_wait3A_153 = arith.constant 0 : i32
      %dma_wait3A_154 = tpu.memref_slice %arg8[%run_scoped3A, %dma_wait3A_152, %dma_wait3A_153] : memref<3x128x128xf32, #tpu.memory_space<vmem>> -> memref<1x64x128xf32, #tpu.memory_space<vmem>>
      %dma_wait3A_155 = tpu.memref_squeeze %dma_wait3A_154 : memref<1x64x128xf32, #tpu.memory_space<vmem>> -> memref<64x128xf32, #tpu.memory_space<vmem>>
      tpu.wait_dma2 semaphore(%run_scoped3A_132 : memref<!tpu.dma_semaphore, #tpu.memory_space<semaphore_mem>>) src(%dma_wait3A_155 : memref<64x128xf32, #tpu.memory_space<vmem>>) dst(%dma_wait3A_151 : memref<64x128xf32, #tpu.memory_space<vmem_shared>>)
      tpu.yield
    }) : () -> ()
    %mul3A_8 = arith.constant 320 : i32
    %mul3A_9 = arith.muli %arg1, %mul3A_8 : i32
    %add3A_10 = arith.constant 64 : i32
    %add3A_11 = arith.addi %mul3A_9, %add3A_10 : i32
    %run_scoped3A_12 = arith.constant 0 : i32
    "tpu.region"() ({
      %run_scoped3A_132 = tpu.sem_alloc : memref<!tpu.dma_semaphore, #tpu.memory_space<semaphore_mem>>
      %dma_start3A_133 = arith.constant 0 : i32
      %dma_start3A_134 = arith.constant 0 : i32
      %dma_start3A_135 = tpu.memref_slice %arg8[%run_scoped3A_12, %dma_start3A_133, %dma_start3A_134] : memref<3x128x128xf32, #tpu.memory_space<vmem>> -> memref<1x64x128xf32, #tpu.memory_space<vmem>>
      %dma_start3A_136 = tpu.memref_squeeze %dma_start3A_135 : memref<1x64x128xf32, #tpu.memory_space<vmem>> -> memref<64x128xf32, #tpu.memory_space<vmem>>
      %dma_start3A_137 = arith.constant 0 : i32
      %dma_start3A_138 = tpu.memref_slice %arg9[%add3A_11, %dma_start3A_137] : memref<5120x128xf32, #tpu.memory_space<vmem_shared>> -> memref<64x128xf32, #tpu.memory_space<vmem_shared>>
      %dma_start3A_139 = arith.constant 0 : i32
      %dma_start3A_140 = tpu.memref_slice %arg9[%add3A_11, %dma_start3A_139] : memref<5120x128xf32, #tpu.memory_space<vmem_shared>> -> memref<64x128xf32, #tpu.memory_space<vmem_shared>>
      %dma_start3A_141 = arith.constant 0 : i32
      %dma_start3A_142 = arith.constant 0 : i32
      %dma_start3A_143 = tpu.memref_slice %arg8[%run_scoped3A_12, %dma_start3A_141, %dma_start3A_142] : memref<3x128x128xf32, #tpu.memory_space<vmem>> -> memref<1x64x128xf32, #tpu.memory_space<vmem>>
      %dma_start3A_144 = tpu.memref_squeeze %dma_start3A_143 : memref<1x64x128xf32, #tpu.memory_space<vmem>> -> memref<64x128xf32, #tpu.memory_space<vmem>>
      tpu.enqueue_dma source(%dma_start3A_144 : memref<64x128xf32, #tpu.memory_space<vmem>>) target(%dma_start3A_140 : memref<64x128xf32, #tpu.memory_space<vmem_shared>>) target_semaphore(%run_scoped3A_132 : memref<!tpu.dma_semaphore, #tpu.memory_space<semaphore_mem>>)
      %dma_wait3A = arith.constant 0 : i32
      %dma_wait3A_145 = arith.constant 0 : i32
      %dma_wait3A_146 = tpu.memref_slice %arg8[%run_scoped3A_12, %dma_wait3A, %dma_wait3A_145] : memref<3x128x128xf32, #tpu.memory_space<vmem>> -> memref<1x64x128xf32, #tpu.memory_space<vmem>>
      %dma_wait3A_147 = tpu.memref_squeeze %dma_wait3A_146 : memref<1x64x128xf32, #tpu.memory_space<vmem>> -> memref<64x128xf32, #tpu.memory_space<vmem>>
      %dma_wait3A_148 = arith.constant 0 : i32
      %dma_wait3A_149 = tpu.memref_slice %arg9[%add3A_11, %dma_wait3A_148] : memref<5120x128xf32, #tpu.memory_space<vmem_shared>> -> memref<64x128xf32, #tpu.memory_space<vmem_shared>>
      %dma_wait3A_150 = arith.constant 0 : i32
      %dma_wait3A_151 = tpu.memref_slice %arg9[%add3A_11, %dma_wait3A_150] : memref<5120x128xf32, #tpu.memory_space<vmem_shared>> -> memref<64x128xf32, #tpu.memory_space<vmem_shared>>
      %dma_wait3A_152 = arith.constant 0 : i32
      %dma_wait3A_153 = arith.constant 0 : i32
      %dma_wait3A_154 = tpu.memref_slice %arg8[%run_scoped3A_12, %dma_wait3A_152, %dma_wait3A_153] : memref<3x128x128xf32, #tpu.memory_space<vmem>> -> memref<1x64x128xf32, #tpu.memory_space<vmem>>
      %dma_wait3A_155 = tpu.memref_squeeze %dma_wait3A_154 : memref<1x64x128xf32, #tpu.memory_space<vmem>> -> memref<64x128xf32, #tpu.memory_space<vmem>>
      tpu.wait_dma2 semaphore(%run_scoped3A_132 : memref<!tpu.dma_semaphore, #tpu.memory_space<semaphore_mem>>) src(%dma_wait3A_155 : memref<64x128xf32, #tpu.memory_space<vmem>>) dst(%dma_wait3A_151 : memref<64x128xf32, #tpu.memory_space<vmem_shared>>)
      tpu.yield
    }) : () -> ()
    %mul3A_13 = arith.constant 320 : i32
    %mul3A_14 = arith.muli %arg1, %mul3A_13 : i32
    %add3A_15 = arith.constant 128 : i32
    %add3A_16 = arith.addi %mul3A_14, %add3A_15 : i32
    %run_scoped3A_17 = arith.constant 0 : i32
    "tpu.region"() ({
      %run_scoped3A_132 = tpu.sem_alloc : memref<!tpu.dma_semaphore, #tpu.memory_space<semaphore_mem>>
      %dma_start3A_133 = arith.constant 0 : i32
      %dma_start3A_134 = arith.constant 0 : i32
      %dma_start3A_135 = tpu.memref_slice %arg8[%run_scoped3A_17, %dma_start3A_133, %dma_start3A_134] : memref<3x128x128xf32, #tpu.memory_space<vmem>> -> memref<1x64x128xf32, #tpu.memory_space<vmem>>
      %dma_start3A_136 = tpu.memref_squeeze %dma_start3A_135 : memref<1x64x128xf32, #tpu.memory_space<vmem>> -> memref<64x128xf32, #tpu.memory_space<vmem>>
      %dma_start3A_137 = arith.constant 0 : i32
      %dma_start3A_138 = tpu.memref_slice %arg9[%add3A_16, %dma_start3A_137] : memref<5120x128xf32, #tpu.memory_space<vmem_shared>> -> memref<64x128xf32, #tpu.memory_space<vmem_shared>>
      %dma_start3A_139 = arith.constant 0 : i32
      %dma_start3A_140 = tpu.memref_slice %arg9[%add3A_16, %dma_start3A_139] : memref<5120x128xf32, #tpu.memory_space<vmem_shared>> -> memref<64x128xf32, #tpu.memory_space<vmem_shared>>
      %dma_start3A_141 = arith.constant 0 : i32
      %dma_start3A_142 = arith.constant 0 : i32
      %dma_start3A_143 = tpu.memref_slice %arg8[%run_scoped3A_17, %dma_start3A_141, %dma_start3A_142] : memref<3x128x128xf32, #tpu.memory_space<vmem>> -> memref<1x64x128xf32, #tpu.memory_space<vmem>>
      %dma_start3A_144 = tpu.memref_squeeze %dma_start3A_143 : memref<1x64x128xf32, #tpu.memory_space<vmem>> -> memref<64x128xf32, #tpu.memory_space<vmem>>
      tpu.enqueue_dma source(%dma_start3A_144 : memref<64x128xf32, #tpu.memory_space<vmem>>) target(%dma_start3A_140 : memref<64x128xf32, #tpu.memory_space<vmem_shared>>) target_semaphore(%run_scoped3A_132 : memref<!tpu.dma_semaphore, #tpu.memory_space<semaphore_mem>>)
      %dma_wait3A = arith.constant 0 : i32
      %dma_wait3A_145 = arith.constant 0 : i32
      %dma_wait3A_146 = tpu.memref_slice %arg8[%run_scoped3A_17, %dma_wait3A, %dma_wait3A_145] : memref<3x128x128xf32, #tpu.memory_space<vmem>> -> memref<1x64x128xf32, #tpu.memory_space<vmem>>
      %dma_wait3A_147 = tpu.memref_squeeze %dma_wait3A_146 : memref<1x64x128xf32, #tpu.memory_space<vmem>> -> memref<64x128xf32, #tpu.memory_space<vmem>>
      %dma_wait3A_148 = arith.constant 0 : i32
      %dma_wait3A_149 = tpu.memref_slice %arg9[%add3A_16, %dma_wait3A_148] : memref<5120x128xf32, #tpu.memory_space<vmem_shared>> -> memref<64x128xf32, #tpu.memory_space<vmem_shared>>
      %dma_wait3A_150 = arith.constant 0 : i32
      %dma_wait3A_151 = tpu.memref_slice %arg9[%add3A_16, %dma_wait3A_150] : memref<5120x128xf32, #tpu.memory_space<vmem_shared>> -> memref<64x128xf32, #tpu.memory_space<vmem_shared>>
      %dma_wait3A_152 = arith.constant 0 : i32
      %dma_wait3A_153 = arith.constant 0 : i32
      %dma_wait3A_154 = tpu.memref_slice %arg8[%run_scoped3A_17, %dma_wait3A_152, %dma_wait3A_153] : memref<3x128x128xf32, #tpu.memory_space<vmem>> -> memref<1x64x128xf32, #tpu.memory_space<vmem>>
      %dma_wait3A_155 = tpu.memref_squeeze %dma_wait3A_154 : memref<1x64x128xf32, #tpu.memory_space<vmem>> -> memref<64x128xf32, #tpu.memory_space<vmem>>
      tpu.wait_dma2 semaphore(%run_scoped3A_132 : memref<!tpu.dma_semaphore, #tpu.memory_space<semaphore_mem>>) src(%dma_wait3A_155 : memref<64x128xf32, #tpu.memory_space<vmem>>) dst(%dma_wait3A_151 : memref<64x128xf32, #tpu.memory_space<vmem_shared>>)
      tpu.yield
    }) : () -> ()
    %mul3A_18 = arith.constant 320 : i32
    %mul3A_19 = arith.muli %arg1, %mul3A_18 : i32
    %add3A_20 = arith.constant 192 : i32
    %add3A_21 = arith.addi %mul3A_19, %add3A_20 : i32
    %run_scoped3A_22 = arith.constant 0 : i32
    "tpu.region"() ({
      %run_scoped3A_132 = tpu.sem_alloc : memref<!tpu.dma_semaphore, #tpu.memory_space<semaphore_mem>>
      %dma_start3A_133 = arith.constant 0 : i32
      %dma_start3A_134 = arith.constant 0 : i32
      %dma_start3A_135 = tpu.memref_slice %arg8[%run_scoped3A_22, %dma_start3A_133, %dma_start3A_134] : memref<3x128x128xf32, #tpu.memory_space<vmem>> -> memref<1x64x128xf32, #tpu.memory_space<vmem>>
      %dma_start3A_136 = tpu.memref_squeeze %dma_start3A_135 : memref<1x64x128xf32, #tpu.memory_space<vmem>> -> memref<64x128xf32, #tpu.memory_space<vmem>>
      %dma_start3A_137 = arith.constant 0 : i32
      %dma_start3A_138 = tpu.memref_slice %arg9[%add3A_21, %dma_start3A_137] : memref<5120x128xf32, #tpu.memory_space<vmem_shared>> -> memref<64x128xf32, #tpu.memory_space<vmem_shared>>
      %dma_start3A_139 = arith.constant 0 : i32
      %dma_start3A_140 = tpu.memref_slice %arg9[%add3A_21, %dma_start3A_139] : memref<5120x128xf32, #tpu.memory_space<vmem_shared>> -> memref<64x128xf32, #tpu.memory_space<vmem_shared>>
      %dma_start3A_141 = arith.constant 0 : i32
      %dma_start3A_142 = arith.constant 0 : i32
      %dma_start3A_143 = tpu.memref_slice %arg8[%run_scoped3A_22, %dma_start3A_141, %dma_start3A_142] : memref<3x128x128xf32, #tpu.memory_space<vmem>> -> memref<1x64x128xf32, #tpu.memory_space<vmem>>
      %dma_start3A_144 = tpu.memref_squeeze %dma_start3A_143 : memref<1x64x128xf32, #tpu.memory_space<vmem>> -> memref<64x128xf32, #tpu.memory_space<vmem>>
      tpu.enqueue_dma source(%dma_start3A_144 : memref<64x128xf32, #tpu.memory_space<vmem>>) target(%dma_start3A_140 : memref<64x128xf32, #tpu.memory_space<vmem_shared>>) target_semaphore(%run_scoped3A_132 : memref<!tpu.dma_semaphore, #tpu.memory_space<semaphore_mem>>)
      %dma_wait3A = arith.constant 0 : i32
      %dma_wait3A_145 = arith.constant 0 : i32
      %dma_wait3A_146 = tpu.memref_slice %arg8[%run_scoped3A_22, %dma_wait3A, %dma_wait3A_145] : memref<3x128x128xf32, #tpu.memory_space<vmem>> -> memref<1x64x128xf32, #tpu.memory_space<vmem>>
      %dma_wait3A_147 = tpu.memref_squeeze %dma_wait3A_146 : memref<1x64x128xf32, #tpu.memory_space<vmem>> -> memref<64x128xf32, #tpu.memory_space<vmem>>
      %dma_wait3A_148 = arith.constant 0 : i32
      %dma_wait3A_149 = tpu.memref_slice %arg9[%add3A_21, %dma_wait3A_148] : memref<5120x128xf32, #tpu.memory_space<vmem_shared>> -> memref<64x128xf32, #tpu.memory_space<vmem_shared>>
      %dma_wait3A_150 = arith.constant 0 : i32
      %dma_wait3A_151 = tpu.memref_slice %arg9[%add3A_21, %dma_wait3A_150] : memref<5120x128xf32, #tpu.memory_space<vmem_shared>> -> memref<64x128xf32, #tpu.memory_space<vmem_shared>>
      %dma_wait3A_152 = arith.constant 0 : i32
      %dma_wait3A_153 = arith.constant 0 : i32
      %dma_wait3A_154 = tpu.memref_slice %arg8[%run_scoped3A_22, %dma_wait3A_152, %dma_wait3A_153] : memref<3x128x128xf32, #tpu.memory_space<vmem>> -> memref<1x64x128xf32, #tpu.memory_space<vmem>>
      %dma_wait3A_155 = tpu.memref_squeeze %dma_wait3A_154 : memref<1x64x128xf32, #tpu.memory_space<vmem>> -> memref<64x128xf32, #tpu.memory_space<vmem>>
      tpu.wait_dma2 semaphore(%run_scoped3A_132 : memref<!tpu.dma_semaphore, #tpu.memory_space<semaphore_mem>>) src(%dma_wait3A_155 : memref<64x128xf32, #tpu.memory_space<vmem>>) dst(%dma_wait3A_151 : memref<64x128xf32, #tpu.memory_space<vmem_shared>>)
      tpu.yield
    }) : () -> ()
    %mul3A_23 = arith.constant 320 : i32
    %mul3A_24 = arith.muli %arg1, %mul3A_23 : i32
    %add3A_25 = arith.constant 256 : i32
    %add3A_26 = arith.addi %mul3A_24, %add3A_25 : i32
    %run_scoped3A_27 = arith.constant 0 : i32
    "tpu.region"() ({
      %run_scoped3A_132 = tpu.sem_alloc : memref<!tpu.dma_semaphore, #tpu.memory_space<semaphore_mem>>
      %dma_start3A_133 = arith.constant 0 : i32
      %dma_start3A_134 = arith.constant 0 : i32
      %dma_start3A_135 = tpu.memref_slice %arg8[%run_scoped3A_27, %dma_start3A_133, %dma_start3A_134] : memref<3x128x128xf32, #tpu.memory_space<vmem>> -> memref<1x64x128xf32, #tpu.memory_space<vmem>>
      %dma_start3A_136 = tpu.memref_squeeze %dma_start3A_135 : memref<1x64x128xf32, #tpu.memory_space<vmem>> -> memref<64x128xf32, #tpu.memory_space<vmem>>
      %dma_start3A_137 = arith.constant 0 : i32
      %dma_start3A_138 = tpu.memref_slice %arg9[%add3A_26, %dma_start3A_137] : memref<5120x128xf32, #tpu.memory_space<vmem_shared>> -> memref<64x128xf32, #tpu.memory_space<vmem_shared>>
      %dma_start3A_139 = arith.constant 0 : i32
      %dma_start3A_140 = tpu.memref_slice %arg9[%add3A_26, %dma_start3A_139] : memref<5120x128xf32, #tpu.memory_space<vmem_shared>> -> memref<64x128xf32, #tpu.memory_space<vmem_shared>>
      %dma_start3A_141 = arith.constant 0 : i32
      %dma_start3A_142 = arith.constant 0 : i32
      %dma_start3A_143 = tpu.memref_slice %arg8[%run_scoped3A_27, %dma_start3A_141, %dma_start3A_142] : memref<3x128x128xf32, #tpu.memory_space<vmem>> -> memref<1x64x128xf32, #tpu.memory_space<vmem>>
      %dma_start3A_144 = tpu.memref_squeeze %dma_start3A_143 : memref<1x64x128xf32, #tpu.memory_space<vmem>> -> memref<64x128xf32, #tpu.memory_space<vmem>>
      tpu.enqueue_dma source(%dma_start3A_144 : memref<64x128xf32, #tpu.memory_space<vmem>>) target(%dma_start3A_140 : memref<64x128xf32, #tpu.memory_space<vmem_shared>>) target_semaphore(%run_scoped3A_132 : memref<!tpu.dma_semaphore, #tpu.memory_space<semaphore_mem>>)
      %dma_wait3A = arith.constant 0 : i32
      %dma_wait3A_145 = arith.constant 0 : i32
      %dma_wait3A_146 = tpu.memref_slice %arg8[%run_scoped3A_27, %dma_wait3A, %dma_wait3A_145] : memref<3x128x128xf32, #tpu.memory_space<vmem>> -> memref<1x64x128xf32, #tpu.memory_space<vmem>>
      %dma_wait3A_147 = tpu.memref_squeeze %dma_wait3A_146 : memref<1x64x128xf32, #tpu.memory_space<vmem>> -> memref<64x128xf32, #tpu.memory_space<vmem>>
      %dma_wait3A_148 = arith.constant 0 : i32
      %dma_wait3A_149 = tpu.memref_slice %arg9[%add3A_26, %dma_wait3A_148] : memref<5120x128xf32, #tpu.memory_space<vmem_shared>> -> memref<64x128xf32, #tpu.memory_space<vmem_shared>>
      %dma_wait3A_150 = arith.constant 0 : i32
      %dma_wait3A_151 = tpu.memref_slice %arg9[%add3A_26, %dma_wait3A_150] : memref<5120x128xf32, #tpu.memory_space<vmem_shared>> -> memref<64x128xf32, #tpu.memory_space<vmem_shared>>
      %dma_wait3A_152 = arith.constant 0 : i32
      %dma_wait3A_153 = arith.constant 0 : i32
      %dma_wait3A_154 = tpu.memref_slice %arg8[%run_scoped3A_27, %dma_wait3A_152, %dma_wait3A_153] : memref<3x128x128xf32, #tpu.memory_space<vmem>> -> memref<1x64x128xf32, #tpu.memory_space<vmem>>
      %dma_wait3A_155 = tpu.memref_squeeze %dma_wait3A_154 : memref<1x64x128xf32, #tpu.memory_space<vmem>> -> memref<64x128xf32, #tpu.memory_space<vmem>>
      tpu.wait_dma2 semaphore(%run_scoped3A_132 : memref<!tpu.dma_semaphore, #tpu.memory_space<semaphore_mem>>) src(%dma_wait3A_155 : memref<64x128xf32, #tpu.memory_space<vmem>>) dst(%dma_wait3A_151 : memref<64x128xf32, #tpu.memory_space<vmem_shared>>)
      tpu.yield
    }) : () -> ()
    %mul3A_28 = arith.constant 16 : i32
    %mul3A_29 = arith.muli %arg0, %mul3A_28 : i32
    %add3A_30 = arith.addi %mul3A_29, %arg1 : i32
    "tpu.region"() ({
      %run_scoped3A_132 = tpu.sem_alloc : memref<!tpu.dma_semaphore, #tpu.memory_space<semaphore_mem>>
      %dma_start3A_133 = arith.constant 0 : i32
      %dma_start3A_134 = arith.constant 0 : i32
      %dma_start3A_135 = tpu.memref_slice %arg2[%add3A_30, %dma_start3A_133, %dma_start3A_134] : memref<32x80x128xi32, #tpu.memory_space<hbm>> -> memref<1x80x128xi32, #tpu.memory_space<hbm>>
      %dma_start3A_136 = tpu.memref_squeeze %dma_start3A_135 : memref<1x80x128xi32, #tpu.memory_space<hbm>> -> memref<80x128xi32, #tpu.memory_space<hbm>>
      %dma_start3A_137 = arith.constant 0 : i32
      %dma_start3A_138 = arith.constant 0 : i32
      %dma_start3A_139 = tpu.memref_slice %arg2[%add3A_30, %dma_start3A_137, %dma_start3A_138] : memref<32x80x128xi32, #tpu.memory_space<hbm>> -> memref<1x80x128xi32, #tpu.memory_space<hbm>>
      %dma_start3A_140 = tpu.memref_squeeze %dma_start3A_139 : memref<1x80x128xi32, #tpu.memory_space<hbm>> -> memref<80x128xi32, #tpu.memory_space<hbm>>
      tpu.enqueue_dma source(%dma_start3A_140 : memref<80x128xi32, #tpu.memory_space<hbm>>) target(%arg6 : memref<80x128xi32, #tpu.memory_space<vmem>>) target_semaphore(%run_scoped3A_132 : memref<!tpu.dma_semaphore, #tpu.memory_space<semaphore_mem>>)
      %dma_wait3A = arith.constant 0 : i32
      %dma_wait3A_141 = arith.constant 0 : i32
      %dma_wait3A_142 = tpu.memref_slice %arg2[%add3A_30, %dma_wait3A, %dma_wait3A_141] : memref<32x80x128xi32, #tpu.memory_space<hbm>> -> memref<1x80x128xi32, #tpu.memory_space<hbm>>
      %dma_wait3A_143 = tpu.memref_squeeze %dma_wait3A_142 : memref<1x80x128xi32, #tpu.memory_space<hbm>> -> memref<80x128xi32, #tpu.memory_space<hbm>>
      %dma_wait3A_144 = arith.constant 0 : i32
      %dma_wait3A_145 = arith.constant 0 : i32
      %dma_wait3A_146 = tpu.memref_slice %arg2[%add3A_30, %dma_wait3A_144, %dma_wait3A_145] : memref<32x80x128xi32, #tpu.memory_space<hbm>> -> memref<1x80x128xi32, #tpu.memory_space<hbm>>
      %dma_wait3A_147 = tpu.memref_squeeze %dma_wait3A_146 : memref<1x80x128xi32, #tpu.memory_space<hbm>> -> memref<80x128xi32, #tpu.memory_space<hbm>>
      tpu.wait_dma2 semaphore(%run_scoped3A_132 : memref<!tpu.dma_semaphore, #tpu.memory_space<semaphore_mem>>) src(%dma_wait3A_147 : memref<80x128xi32, #tpu.memory_space<hbm>>) dst(%arg6 : memref<80x128xi32, #tpu.memory_space<vmem>>)
      tpu.yield
    }) : () -> ()
    "tpu.region"() ({
      %run_scoped3A_132 = tpu.sem_alloc : memref<!tpu.dma_semaphore, #tpu.memory_space<semaphore_mem>>
      %dma_start3A_133 = arith.constant 0 : i32
      %dma_start3A_134 = arith.constant 0 : i32
      %dma_start3A_135 = tpu.memref_slice %arg3[%add3A_30, %dma_start3A_133, %dma_start3A_134] : memref<32x80x128xi32, #tpu.memory_space<hbm>> -> memref<1x80x128xi32, #tpu.memory_space<hbm>>
      %dma_start3A_136 = tpu.memref_squeeze %dma_start3A_135 : memref<1x80x128xi32, #tpu.memory_space<hbm>> -> memref<80x128xi32, #tpu.memory_space<hbm>>
      %dma_start3A_137 = arith.constant 0 : i32
      %dma_start3A_138 = arith.constant 0 : i32
      %dma_start3A_139 = tpu.memref_slice %arg3[%add3A_30, %dma_start3A_137, %dma_start3A_138] : memref<32x80x128xi32, #tpu.memory_space<hbm>> -> memref<1x80x128xi32, #tpu.memory_space<hbm>>
      %dma_start3A_140 = tpu.memref_squeeze %dma_start3A_139 : memref<1x80x128xi32, #tpu.memory_space<hbm>> -> memref<80x128xi32, #tpu.memory_space<hbm>>
      tpu.enqueue_dma source(%dma_start3A_140 : memref<80x128xi32, #tpu.memory_space<hbm>>) target(%arg7 : memref<80x128xi32, #tpu.memory_space<vmem>>) target_semaphore(%run_scoped3A_132 : memref<!tpu.dma_semaphore, #tpu.memory_space<semaphore_mem>>)
      %dma_wait3A = arith.constant 0 : i32
      %dma_wait3A_141 = arith.constant 0 : i32
      %dma_wait3A_142 = tpu.memref_slice %arg3[%add3A_30, %dma_wait3A, %dma_wait3A_141] : memref<32x80x128xi32, #tpu.memory_space<hbm>> -> memref<1x80x128xi32, #tpu.memory_space<hbm>>
      %dma_wait3A_143 = tpu.memref_squeeze %dma_wait3A_142 : memref<1x80x128xi32, #tpu.memory_space<hbm>> -> memref<80x128xi32, #tpu.memory_space<hbm>>
      %dma_wait3A_144 = arith.constant 0 : i32
      %dma_wait3A_145 = arith.constant 0 : i32
      %dma_wait3A_146 = tpu.memref_slice %arg3[%add3A_30, %dma_wait3A_144, %dma_wait3A_145] : memref<32x80x128xi32, #tpu.memory_space<hbm>> -> memref<1x80x128xi32, #tpu.memory_space<hbm>>
      %dma_wait3A_147 = tpu.memref_squeeze %dma_wait3A_146 : memref<1x80x128xi32, #tpu.memory_space<hbm>> -> memref<80x128xi32, #tpu.memory_space<hbm>>
      tpu.wait_dma2 semaphore(%run_scoped3A_132 : memref<!tpu.dma_semaphore, #tpu.memory_space<semaphore_mem>>) src(%dma_wait3A_147 : memref<80x128xi32, #tpu.memory_space<hbm>>) dst(%arg7 : memref<80x128xi32, #tpu.memory_space<vmem>>)
      tpu.yield
    }) : () -> ()
    %barrier3A = arith.constant 0 : index
    tpu.barrier barrier_id(%barrier3A)
    %dma_start3A = arith.constant 0 : i32
    %dma_start3A_31 = arith.constant 0 : i32
    %dma_start3A_32 = arith.constant 0 : i32
    %dma_start3A_33 = arith.constant 0 : i32
    %dma_start3A_34 = arith.constant 0 : i32
    %dma_start3A_35 = tpu.memref_slice %arg8[%dma_start3A_31, %dma_start3A_33, %dma_start3A_34] : memref<3x128x128xf32, #tpu.memory_space<vmem>> -> memref<1x128x128xf32, #tpu.memory_space<vmem>>
    %dma_start3A_36 = tpu.memref_squeeze %dma_start3A_35 : memref<1x128x128xf32, #tpu.memory_space<vmem>> -> memref<128x128xf32, #tpu.memory_space<vmem>>
    %dma_start3A_37 = arith.constant 0 : i32
    %dma_start3A_38 = tpu.memref_slice %arg6[%dma_start3A, %dma_start3A_37] : memref<80x128xi32, #tpu.memory_space<vmem>> -> memref<1x128xi32, #tpu.memory_space<vmem>>
    %dma_start3A_39 = tpu.memref_squeeze %dma_start3A_38 : memref<1x128xi32, #tpu.memory_space<vmem>> -> memref<128xi32, #tpu.memory_space<vmem>>
    %dma_start3A_40 = arith.constant 0 : i32
    %dma_start3A_41 = arith.constant 0 : i32
    %dma_start3A_42 = tpu.memref_slice %arg4[%dma_start3A_40, %dma_start3A_41] : memref<20480x128xf32, #tpu.memory_space<hbm>> -> memref<20480x128xf32, #tpu.memory_space<hbm>>
    %dma_start3A_43 = tpu.memref_slice %arg10[%dma_start3A_32] : memref<3x!tpu.dma_semaphore, #tpu.memory_space<semaphore_mem>> -> memref<1x!tpu.dma_semaphore, #tpu.memory_space<semaphore_mem>>
    %dma_start3A_44 = tpu.memref_squeeze %dma_start3A_43 : memref<1x!tpu.dma_semaphore, #tpu.memory_space<semaphore_mem>> -> memref<!tpu.dma_semaphore, #tpu.memory_space<semaphore_mem>>
    tpu.enqueue_indirect_dma source(%dma_start3A_42 : memref<20480x128xf32, #tpu.memory_space<hbm>>) target(%dma_start3A_36 : memref<128x128xf32, #tpu.memory_space<vmem>>) offsets(%dma_start3A_39 : memref<128xi32, #tpu.memory_space<vmem>>) semaphore(%dma_start3A_44 : memref<!tpu.dma_semaphore, #tpu.memory_space<semaphore_mem>>)
    %dma_start3A_45 = arith.constant 1 : i32
    %dma_start3A_46 = arith.constant 1 : i32
    %dma_start3A_47 = arith.constant 1 : i32
    %dma_start3A_48 = arith.constant 0 : i32
    %dma_start3A_49 = arith.constant 0 : i32
    %dma_start3A_50 = tpu.memref_slice %arg8[%dma_start3A_46, %dma_start3A_48, %dma_start3A_49] : memref<3x128x128xf32, #tpu.memory_space<vmem>> -> memref<1x128x128xf32, #tpu.memory_space<vmem>>
    %dma_start3A_51 = tpu.memref_squeeze %dma_start3A_50 : memref<1x128x128xf32, #tpu.memory_space<vmem>> -> memref<128x128xf32, #tpu.memory_space<vmem>>
    %dma_start3A_52 = arith.constant 0 : i32
    %dma_start3A_53 = tpu.memref_slice %arg6[%dma_start3A_45, %dma_start3A_52] : memref<80x128xi32, #tpu.memory_space<vmem>> -> memref<1x128xi32, #tpu.memory_space<vmem>>
    %dma_start3A_54 = tpu.memref_squeeze %dma_start3A_53 : memref<1x128xi32, #tpu.memory_space<vmem>> -> memref<128xi32, #tpu.memory_space<vmem>>
    %dma_start3A_55 = arith.constant 0 : i32
    %dma_start3A_56 = arith.constant 0 : i32
    %dma_start3A_57 = tpu.memref_slice %arg4[%dma_start3A_55, %dma_start3A_56] : memref<20480x128xf32, #tpu.memory_space<hbm>> -> memref<20480x128xf32, #tpu.memory_space<hbm>>
    %dma_start3A_58 = tpu.memref_slice %arg10[%dma_start3A_47] : memref<3x!tpu.dma_semaphore, #tpu.memory_space<semaphore_mem>> -> memref<1x!tpu.dma_semaphore, #tpu.memory_space<semaphore_mem>>
    %dma_start3A_59 = tpu.memref_squeeze %dma_start3A_58 : memref<1x!tpu.dma_semaphore, #tpu.memory_space<semaphore_mem>> -> memref<!tpu.dma_semaphore, #tpu.memory_space<semaphore_mem>>
    tpu.enqueue_indirect_dma source(%dma_start3A_57 : memref<20480x128xf32, #tpu.memory_space<hbm>>) target(%dma_start3A_51 : memref<128x128xf32, #tpu.memory_space<vmem>>) offsets(%dma_start3A_54 : memref<128xi32, #tpu.memory_space<vmem>>) semaphore(%dma_start3A_59 : memref<!tpu.dma_semaphore, #tpu.memory_space<semaphore_mem>>)
    %dma_start3A_60 = arith.constant 2 : i32
    %dma_start3A_61 = arith.constant 2 : i32
    %dma_start3A_62 = arith.constant 2 : i32
    %dma_start3A_63 = arith.constant 0 : i32
    %dma_start3A_64 = arith.constant 0 : i32
    %dma_start3A_65 = tpu.memref_slice %arg8[%dma_start3A_61, %dma_start3A_63, %dma_start3A_64] : memref<3x128x128xf32, #tpu.memory_space<vmem>> -> memref<1x128x128xf32, #tpu.memory_space<vmem>>
    %dma_start3A_66 = tpu.memref_squeeze %dma_start3A_65 : memref<1x128x128xf32, #tpu.memory_space<vmem>> -> memref<128x128xf32, #tpu.memory_space<vmem>>
    %dma_start3A_67 = arith.constant 0 : i32
    %dma_start3A_68 = tpu.memref_slice %arg6[%dma_start3A_60, %dma_start3A_67] : memref<80x128xi32, #tpu.memory_space<vmem>> -> memref<1x128xi32, #tpu.memory_space<vmem>>
    %dma_start3A_69 = tpu.memref_squeeze %dma_start3A_68 : memref<1x128xi32, #tpu.memory_space<vmem>> -> memref<128xi32, #tpu.memory_space<vmem>>
    %dma_start3A_70 = arith.constant 0 : i32
    %dma_start3A_71 = arith.constant 0 : i32
    %dma_start3A_72 = tpu.memref_slice %arg4[%dma_start3A_70, %dma_start3A_71] : memref<20480x128xf32, #tpu.memory_space<hbm>> -> memref<20480x128xf32, #tpu.memory_space<hbm>>
    %dma_start3A_73 = tpu.memref_slice %arg10[%dma_start3A_62] : memref<3x!tpu.dma_semaphore, #tpu.memory_space<semaphore_mem>> -> memref<1x!tpu.dma_semaphore, #tpu.memory_space<semaphore_mem>>
    %dma_start3A_74 = tpu.memref_squeeze %dma_start3A_73 : memref<1x!tpu.dma_semaphore, #tpu.memory_space<semaphore_mem>> -> memref<!tpu.dma_semaphore, #tpu.memory_space<semaphore_mem>>
    tpu.enqueue_indirect_dma source(%dma_start3A_72 : memref<20480x128xf32, #tpu.memory_space<hbm>>) target(%dma_start3A_66 : memref<128x128xf32, #tpu.memory_space<vmem>>) offsets(%dma_start3A_69 : memref<128xi32, #tpu.memory_space<vmem>>) semaphore(%dma_start3A_74 : memref<!tpu.dma_semaphore, #tpu.memory_space<semaphore_mem>>)
    %scan3A_75 = arith.constant 0 : i32
    %scan3A_76 = arith.constant 0 : i32
    %scan3A_77 = arith.constant 80 : i32
    %scan3A_78 = arith.addi %scan3A_76, %scan3A_77 : i32
    %scan3A_79 = arith.constant 1 : i32
    scf.for %scan3A_132 = %scan3A_76 to %scan3A_78 step %scan3A_79  : i32 {
      %rem3A = arith.constant 3 : i32
      %rem3A_133 = arith.remsi %scan3A_132, %rem3A : i32
      %dma_wait3A = arith.constant 0 : i32
      %dma_wait3A_134 = arith.constant 0 : i32
      %dma_wait3A_135 = tpu.memref_slice %arg8[%rem3A_133, %dma_wait3A, %dma_wait3A_134] : memref<3x128x128xf32, #tpu.memory_space<vmem>> -> memref<1x128x128xf32, #tpu.memory_space<vmem>>
      %dma_wait3A_136 = tpu.memref_squeeze %dma_wait3A_135 : memref<1x128x128xf32, #tpu.memory_space<vmem>> -> memref<128x128xf32, #tpu.memory_space<vmem>>
      %dma_wait3A_137 = arith.constant 0 : i32
      %dma_wait3A_138 = tpu.memref_slice %arg6[%scan3A_132, %dma_wait3A_137] : memref<80x128xi32, #tpu.memory_space<vmem>> -> memref<1x128xi32, #tpu.memory_space<vmem>>
      %dma_wait3A_139 = tpu.memref_squeeze %dma_wait3A_138 : memref<1x128xi32, #tpu.memory_space<vmem>> -> memref<128xi32, #tpu.memory_space<vmem>>
      %dma_wait3A_140 = arith.constant 0 : i32
      %dma_wait3A_141 = arith.constant 0 : i32
      %dma_wait3A_142 = tpu.memref_slice %arg4[%dma_wait3A_140, %dma_wait3A_141] : memref<20480x128xf32, #tpu.memory_space<hbm>> -> memref<20480x128xf32, #tpu.memory_space<hbm>>
      %dma_wait3A_143 = tpu.memref_slice %arg10[%rem3A_133] : memref<3x!tpu.dma_semaphore, #tpu.memory_space<semaphore_mem>> -> memref<1x!tpu.dma_semaphore, #tpu.memory_space<semaphore_mem>>
      %dma_wait3A_144 = tpu.memref_squeeze %dma_wait3A_143 : memref<1x!tpu.dma_semaphore, #tpu.memory_space<semaphore_mem>> -> memref<!tpu.dma_semaphore, #tpu.memory_space<semaphore_mem>>
      tpu.wait_indirect_dma semaphore(%dma_wait3A_144 : memref<!tpu.dma_semaphore, #tpu.memory_space<semaphore_mem>>) src(%dma_wait3A_142 : memref<20480x128xf32, #tpu.memory_space<hbm>>) dst(%dma_wait3A_136 : memref<128x128xf32, #tpu.memory_space<vmem>>)
      "tpu.region"() ({
        %run_scoped3A_149 = tpu.sem_alloc : memref<!tpu.dma_semaphore, #tpu.memory_space<semaphore_mem>>
        %dma_start3A_150 = arith.constant 0 : i32
        %dma_start3A_151 = arith.constant 0 : i32
        %dma_start3A_152 = tpu.memref_slice %arg8[%rem3A_133, %dma_start3A_150, %dma_start3A_151] : memref<3x128x128xf32, #tpu.memory_space<vmem>> -> memref<1x128x128xf32, #tpu.memory_space<vmem>>
        %dma_start3A_153 = tpu.memref_squeeze %dma_start3A_152 : memref<1x128x128xf32, #tpu.memory_space<vmem>> -> memref<128x128xf32, #tpu.memory_space<vmem>>
        %dma_start3A_154 = arith.constant 0 : i32
        %dma_start3A_155 = tpu.memref_slice %arg7[%scan3A_132, %dma_start3A_154] : memref<80x128xi32, #tpu.memory_space<vmem>> -> memref<1x128xi32, #tpu.memory_space<vmem>>
        %dma_start3A_156 = tpu.memref_squeeze %dma_start3A_155 : memref<1x128xi32, #tpu.memory_space<vmem>> -> memref<128xi32, #tpu.memory_space<vmem>>
        %dma_start3A_157 = arith.constant 0 : i32
        %dma_start3A_158 = arith.constant 0 : i32
        %dma_start3A_159 = tpu.memref_slice %arg9[%dma_start3A_157, %dma_start3A_158] : memref<5120x128xf32, #tpu.memory_space<vmem_shared>> -> memref<5120x128xf32, #tpu.memory_space<vmem_shared>>
        tpu.enqueue_indirect_dma source(%dma_start3A_153 : memref<128x128xf32, #tpu.memory_space<vmem>>) target(%dma_start3A_159 : memref<5120x128xf32, #tpu.memory_space<vmem_shared>>) offsets(%dma_start3A_156 : memref<128xi32, #tpu.memory_space<vmem>>) semaphore(%run_scoped3A_149 : memref<!tpu.dma_semaphore, #tpu.memory_space<semaphore_mem>>) {add = true}
        %dma_wait3A_160 = arith.constant 0 : i32
        %dma_wait3A_161 = arith.constant 0 : i32
        %dma_wait3A_162 = tpu.memref_slice %arg8[%rem3A_133, %dma_wait3A_160, %dma_wait3A_161] : memref<3x128x128xf32, #tpu.memory_space<vmem>> -> memref<1x128x128xf32, #tpu.memory_space<vmem>>
        %dma_wait3A_163 = tpu.memref_squeeze %dma_wait3A_162 : memref<1x128x128xf32, #tpu.memory_space<vmem>> -> memref<128x128xf32, #tpu.memory_space<vmem>>
        %dma_wait3A_164 = arith.constant 0 : i32
        %dma_wait3A_165 = tpu.memref_slice %arg7[%scan3A_132, %dma_wait3A_164] : memref<80x128xi32, #tpu.memory_space<vmem>> -> memref<1x128xi32, #tpu.memory_space<vmem>>
        %dma_wait3A_166 = tpu.memref_squeeze %dma_wait3A_165 : memref<1x128xi32, #tpu.memory_space<vmem>> -> memref<128xi32, #tpu.memory_space<vmem>>
        %dma_wait3A_167 = arith.constant 0 : i32
        %dma_wait3A_168 = arith.constant 0 : i32
        %dma_wait3A_169 = tpu.memref_slice %arg9[%dma_wait3A_167, %dma_wait3A_168] : memref<5120x128xf32, #tpu.memory_space<vmem_shared>> -> memref<5120x128xf32, #tpu.memory_space<vmem_shared>>
        tpu.wait_indirect_dma semaphore(%run_scoped3A_149 : memref<!tpu.dma_semaphore, #tpu.memory_space<semaphore_mem>>) src(%dma_wait3A_163 : memref<128x128xf32, #tpu.memory_space<vmem>>) dst(%dma_wait3A_169 : memref<5120x128xf32, #tpu.memory_space<vmem_shared>>)
        tpu.yield
      }) : () -> ()
      %add3A_145 = arith.constant 3 : i32
      %add3A_146 = arith.addi %scan3A_132, %add3A_145 : i32
      %lt3A = arith.constant 80 : i32
      %lt3A_147 = arith.cmpi slt, %add3A_146, %lt3A : i32
      %convert_element_type3A = arith.extui %lt3A_147 : i1 to i32
      %cond3A = arith.constant 0 : i32
      %cond3A_148 = arith.cmpi ne, %convert_element_type3A, %cond3A : i32
      scf.if %cond3A_148 {
        %add3A_149 = arith.constant 3 : i32
        %add3A_150 = arith.addi %scan3A_132, %add3A_149 : i32
        %dma_start3A_151 = arith.constant 0 : i32
        %dma_start3A_152 = arith.constant 0 : i32
        %dma_start3A_153 = tpu.memref_slice %arg8[%rem3A_133, %dma_start3A_151, %dma_start3A_152] : memref<3x128x128xf32, #tpu.memory_space<vmem>> -> memref<1x128x128xf32, #tpu.memory_space<vmem>>
        %dma_start3A_154 = tpu.memref_squeeze %dma_start3A_153 : memref<1x128x128xf32, #tpu.memory_space<vmem>> -> memref<128x128xf32, #tpu.memory_space<vmem>>
        %dma_start3A_155 = arith.constant 0 : i32
        %dma_start3A_156 = tpu.memref_slice %arg6[%add3A_150, %dma_start3A_155] : memref<80x128xi32, #tpu.memory_space<vmem>> -> memref<1x128xi32, #tpu.memory_space<vmem>>
        %dma_start3A_157 = tpu.memref_squeeze %dma_start3A_156 : memref<1x128xi32, #tpu.memory_space<vmem>> -> memref<128xi32, #tpu.memory_space<vmem>>
        %dma_start3A_158 = arith.constant 0 : i32
        %dma_start3A_159 = arith.constant 0 : i32
        %dma_start3A_160 = tpu.memref_slice %arg4[%dma_start3A_158, %dma_start3A_159] : memref<20480x128xf32, #tpu.memory_space<hbm>> -> memref<20480x128xf32, #tpu.memory_space<hbm>>
        %dma_start3A_161 = tpu.memref_slice %arg10[%rem3A_133] : memref<3x!tpu.dma_semaphore, #tpu.memory_space<semaphore_mem>> -> memref<1x!tpu.dma_semaphore, #tpu.memory_space<semaphore_mem>>
        %dma_start3A_162 = tpu.memref_squeeze %dma_start3A_161 : memref<1x!tpu.dma_semaphore, #tpu.memory_space<semaphore_mem>> -> memref<!tpu.dma_semaphore, #tpu.memory_space<semaphore_mem>>
        tpu.enqueue_indirect_dma source(%dma_start3A_160 : memref<20480x128xf32, #tpu.memory_space<hbm>>) target(%dma_start3A_154 : memref<128x128xf32, #tpu.memory_space<vmem>>) offsets(%dma_start3A_157 : memref<128xi32, #tpu.memory_space<vmem>>) semaphore(%dma_start3A_162 : memref<!tpu.dma_semaphore, #tpu.memory_space<semaphore_mem>>)
      } else {
      }
    }
    %scan3A_80 = arith.constant 80 : i32
    %barrier3A_81 = arith.constant 0 : index
    tpu.barrier barrier_id(%barrier3A_81)
    %mul3A_82 = arith.constant 320 : i32
    %mul3A_83 = arith.muli %arg1, %mul3A_82 : i32
    %add3A_84 = arith.constant 0 : i32
    %add3A_85 = arith.addi %mul3A_83, %add3A_84 : i32
    %run_scoped3A_86 = arith.constant 0 : i32
    "tpu.region"() ({
      %run_scoped3A_132 = tpu.sem_alloc : memref<!tpu.dma_semaphore, #tpu.memory_space<semaphore_mem>>
      %dma_start3A_133 = arith.constant 0 : i32
      %dma_start3A_134 = arith.constant 0 : i32
      %dma_start3A_135 = tpu.memref_slice %arg8[%run_scoped3A_86, %dma_start3A_133, %dma_start3A_134] : memref<3x128x128xf32, #tpu.memory_space<vmem>> -> memref<1x64x128xf32, #tpu.memory_space<vmem>>
      %dma_start3A_136 = tpu.memref_squeeze %dma_start3A_135 : memref<1x64x128xf32, #tpu.memory_space<vmem>> -> memref<64x128xf32, #tpu.memory_space<vmem>>
      %dma_start3A_137 = arith.constant 0 : i32
      %dma_start3A_138 = tpu.memref_slice %arg9[%add3A_85, %dma_start3A_137] : memref<5120x128xf32, #tpu.memory_space<vmem_shared>> -> memref<64x128xf32, #tpu.memory_space<vmem_shared>>
      %dma_start3A_139 = arith.constant 0 : i32
      %dma_start3A_140 = arith.constant 0 : i32
      %dma_start3A_141 = tpu.memref_slice %arg8[%run_scoped3A_86, %dma_start3A_139, %dma_start3A_140] : memref<3x128x128xf32, #tpu.memory_space<vmem>> -> memref<1x64x128xf32, #tpu.memory_space<vmem>>
      %dma_start3A_142 = tpu.memref_squeeze %dma_start3A_141 : memref<1x64x128xf32, #tpu.memory_space<vmem>> -> memref<64x128xf32, #tpu.memory_space<vmem>>
      %dma_start3A_143 = arith.constant 0 : i32
      %dma_start3A_144 = tpu.memref_slice %arg9[%add3A_85, %dma_start3A_143] : memref<5120x128xf32, #tpu.memory_space<vmem_shared>> -> memref<64x128xf32, #tpu.memory_space<vmem_shared>>
      tpu.enqueue_dma source(%dma_start3A_144 : memref<64x128xf32, #tpu.memory_space<vmem_shared>>) target(%dma_start3A_142 : memref<64x128xf32, #tpu.memory_space<vmem>>) target_semaphore(%run_scoped3A_132 : memref<!tpu.dma_semaphore, #tpu.memory_space<semaphore_mem>>)
      %dma_wait3A = arith.constant 0 : i32
      %dma_wait3A_145 = arith.constant 0 : i32
      %dma_wait3A_146 = tpu.memref_slice %arg8[%run_scoped3A_86, %dma_wait3A, %dma_wait3A_145] : memref<3x128x128xf32, #tpu.memory_space<vmem>> -> memref<1x64x128xf32, #tpu.memory_space<vmem>>
      %dma_wait3A_147 = tpu.memref_squeeze %dma_wait3A_146 : memref<1x64x128xf32, #tpu.memory_space<vmem>> -> memref<64x128xf32, #tpu.memory_space<vmem>>
      %dma_wait3A_148 = arith.constant 0 : i32
      %dma_wait3A_149 = tpu.memref_slice %arg9[%add3A_85, %dma_wait3A_148] : memref<5120x128xf32, #tpu.memory_space<vmem_shared>> -> memref<64x128xf32, #tpu.memory_space<vmem_shared>>
      %dma_wait3A_150 = arith.constant 0 : i32
      %dma_wait3A_151 = arith.constant 0 : i32
      %dma_wait3A_152 = tpu.memref_slice %arg8[%run_scoped3A_86, %dma_wait3A_150, %dma_wait3A_151] : memref<3x128x128xf32, #tpu.memory_space<vmem>> -> memref<1x64x128xf32, #tpu.memory_space<vmem>>
      %dma_wait3A_153 = tpu.memref_squeeze %dma_wait3A_152 : memref<1x64x128xf32, #tpu.memory_space<vmem>> -> memref<64x128xf32, #tpu.memory_space<vmem>>
      %dma_wait3A_154 = arith.constant 0 : i32
      %dma_wait3A_155 = tpu.memref_slice %arg9[%add3A_85, %dma_wait3A_154] : memref<5120x128xf32, #tpu.memory_space<vmem_shared>> -> memref<64x128xf32, #tpu.memory_space<vmem_shared>>
      tpu.wait_dma2 semaphore(%run_scoped3A_132 : memref<!tpu.dma_semaphore, #tpu.memory_space<semaphore_mem>>) src(%dma_wait3A_155 : memref<64x128xf32, #tpu.memory_space<vmem_shared>>) dst(%dma_wait3A_153 : memref<64x128xf32, #tpu.memory_space<vmem>>)
      tpu.yield
    }) : () -> ()
    %mul3A_87 = arith.constant 320 : i32
    %mul3A_88 = arith.muli %arg1, %mul3A_87 : i32
    %add3A_89 = arith.constant 0 : i32
    %add3A_90 = arith.addi %mul3A_88, %add3A_89 : i32
    %run_scoped3A_91 = arith.constant 0 : i32
    "tpu.region"() ({
      %run_scoped3A_132 = tpu.sem_alloc : memref<!tpu.dma_semaphore, #tpu.memory_space<semaphore_mem>>
      %dma_start3A_133 = arith.constant 0 : i32
      %dma_start3A_134 = arith.constant 0 : i32
      %dma_start3A_135 = tpu.memref_slice %arg8[%run_scoped3A_91, %dma_start3A_133, %dma_start3A_134] : memref<3x128x128xf32, #tpu.memory_space<vmem>> -> memref<1x64x128xf32, #tpu.memory_space<vmem>>
      %dma_start3A_136 = tpu.memref_squeeze %dma_start3A_135 : memref<1x64x128xf32, #tpu.memory_space<vmem>> -> memref<64x128xf32, #tpu.memory_space<vmem>>
      %dma_start3A_137 = arith.constant 0 : i32
      %dma_start3A_138 = tpu.memref_slice %arg5[%arg0, %add3A_90, %dma_start3A_137] : memref<2x5120x128xf32, #tpu.memory_space<hbm>> -> memref<1x64x128xf32, #tpu.memory_space<hbm>>
      %dma_start3A_139 = tpu.memref_squeeze %dma_start3A_138 : memref<1x64x128xf32, #tpu.memory_space<hbm>> -> memref<64x128xf32, #tpu.memory_space<hbm>>
      %dma_start3A_140 = arith.constant 0 : i32
      %dma_start3A_141 = tpu.memref_slice %arg5[%arg0, %add3A_90, %dma_start3A_140] : memref<2x5120x128xf32, #tpu.memory_space<hbm>> -> memref<1x64x128xf32, #tpu.memory_space<hbm>>
      %dma_start3A_142 = tpu.memref_squeeze %dma_start3A_141 : memref<1x64x128xf32, #tpu.memory_space<hbm>> -> memref<64x128xf32, #tpu.memory_space<hbm>>
      %dma_start3A_143 = arith.constant 0 : i32
      %dma_start3A_144 = arith.constant 0 : i32
      %dma_start3A_145 = tpu.memref_slice %arg8[%run_scoped3A_91, %dma_start3A_143, %dma_start3A_144] : memref<3x128x128xf32, #tpu.memory_space<vmem>> -> memref<1x64x128xf32, #tpu.memory_space<vmem>>
      %dma_start3A_146 = tpu.memref_squeeze %dma_start3A_145 : memref<1x64x128xf32, #tpu.memory_space<vmem>> -> memref<64x128xf32, #tpu.memory_space<vmem>>
      tpu.enqueue_dma source(%dma_start3A_146 : memref<64x128xf32, #tpu.memory_space<vmem>>) target(%dma_start3A_142 : memref<64x128xf32, #tpu.memory_space<hbm>>) target_semaphore(%run_scoped3A_132 : memref<!tpu.dma_semaphore, #tpu.memory_space<semaphore_mem>>)
      %dma_wait3A = arith.constant 0 : i32
      %dma_wait3A_147 = arith.constant 0 : i32
      %dma_wait3A_148 = tpu.memref_slice %arg8[%run_scoped3A_91, %dma_wait3A, %dma_wait3A_147] : memref<3x128x128xf32, #tpu.memory_space<vmem>> -> memref<1x64x128xf32, #tpu.memory_space<vmem>>
      %dma_wait3A_149 = tpu.memref_squeeze %dma_wait3A_148 : memref<1x64x128xf32, #tpu.memory_space<vmem>> -> memref<64x128xf32, #tpu.memory_space<vmem>>
      %dma_wait3A_150 = arith.constant 0 : i32
      %dma_wait3A_151 = tpu.memref_slice %arg5[%arg0, %add3A_90, %dma_wait3A_150] : memref<2x5120x128xf32, #tpu.memory_space<hbm>> -> memref<1x64x128xf32, #tpu.memory_space<hbm>>
      %dma_wait3A_152 = tpu.memref_squeeze %dma_wait3A_151 : memref<1x64x128xf32, #tpu.memory_space<hbm>> -> memref<64x128xf32, #tpu.memory_space<hbm>>
      %dma_wait3A_153 = arith.constant 0 : i32
      %dma_wait3A_154 = tpu.memref_slice %arg5[%arg0, %add3A_90, %dma_wait3A_153] : memref<2x5120x128xf32, #tpu.memory_space<hbm>> -> memref<1x64x128xf32, #tpu.memory_space<hbm>>
      %dma_wait3A_155 = tpu.memref_squeeze %dma_wait3A_154 : memref<1x64x128xf32, #tpu.memory_space<hbm>> -> memref<64x128xf32, #tpu.memory_space<hbm>>
      %dma_wait3A_156 = arith.constant 0 : i32
      %dma_wait3A_157 = arith.constant 0 : i32
      %dma_wait3A_158 = tpu.memref_slice %arg8[%run_scoped3A_91, %dma_wait3A_156, %dma_wait3A_157] : memref<3x128x128xf32, #tpu.memory_space<vmem>> -> memref<1x64x128xf32, #tpu.memory_space<vmem>>
      %dma_wait3A_159 = tpu.memref_squeeze %dma_wait3A_158 : memref<1x64x128xf32, #tpu.memory_space<vmem>> -> memref<64x128xf32, #tpu.memory_space<vmem>>
      tpu.wait_dma2 semaphore(%run_scoped3A_132 : memref<!tpu.dma_semaphore, #tpu.memory_space<semaphore_mem>>) src(%dma_wait3A_159 : memref<64x128xf32, #tpu.memory_space<vmem>>) dst(%dma_wait3A_155 : memref<64x128xf32, #tpu.memory_space<hbm>>)
      tpu.yield
    }) : () -> ()
    %mul3A_92 = arith.constant 320 : i32
    %mul3A_93 = arith.muli %arg1, %mul3A_92 : i32
    %add3A_94 = arith.constant 64 : i32
    %add3A_95 = arith.addi %mul3A_93, %add3A_94 : i32
    %run_scoped3A_96 = arith.constant 0 : i32
    "tpu.region"() ({
      %run_scoped3A_132 = tpu.sem_alloc : memref<!tpu.dma_semaphore, #tpu.memory_space<semaphore_mem>>
      %dma_start3A_133 = arith.constant 0 : i32
      %dma_start3A_134 = arith.constant 0 : i32
      %dma_start3A_135 = tpu.memref_slice %arg8[%run_scoped3A_96, %dma_start3A_133, %dma_start3A_134] : memref<3x128x128xf32, #tpu.memory_space<vmem>> -> memref<1x64x128xf32, #tpu.memory_space<vmem>>
      %dma_start3A_136 = tpu.memref_squeeze %dma_start3A_135 : memref<1x64x128xf32, #tpu.memory_space<vmem>> -> memref<64x128xf32, #tpu.memory_space<vmem>>
      %dma_start3A_137 = arith.constant 0 : i32
      %dma_start3A_138 = tpu.memref_slice %arg9[%add3A_95, %dma_start3A_137] : memref<5120x128xf32, #tpu.memory_space<vmem_shared>> -> memref<64x128xf32, #tpu.memory_space<vmem_shared>>
      %dma_start3A_139 = arith.constant 0 : i32
      %dma_start3A_140 = arith.constant 0 : i32
      %dma_start3A_141 = tpu.memref_slice %arg8[%run_scoped3A_96, %dma_start3A_139, %dma_start3A_140] : memref<3x128x128xf32, #tpu.memory_space<vmem>> -> memref<1x64x128xf32, #tpu.memory_space<vmem>>
      %dma_start3A_142 = tpu.memref_squeeze %dma_start3A_141 : memref<1x64x128xf32, #tpu.memory_space<vmem>> -> memref<64x128xf32, #tpu.memory_space<vmem>>
      %dma_start3A_143 = arith.constant 0 : i32
      %dma_start3A_144 = tpu.memref_slice %arg9[%add3A_95, %dma_start3A_143] : memref<5120x128xf32, #tpu.memory_space<vmem_shared>> -> memref<64x128xf32, #tpu.memory_space<vmem_shared>>
      tpu.enqueue_dma source(%dma_start3A_144 : memref<64x128xf32, #tpu.memory_space<vmem_shared>>) target(%dma_start3A_142 : memref<64x128xf32, #tpu.memory_space<vmem>>) target_semaphore(%run_scoped3A_132 : memref<!tpu.dma_semaphore, #tpu.memory_space<semaphore_mem>>)
      %dma_wait3A = arith.constant 0 : i32
      %dma_wait3A_145 = arith.constant 0 : i32
      %dma_wait3A_146 = tpu.memref_slice %arg8[%run_scoped3A_96, %dma_wait3A, %dma_wait3A_145] : memref<3x128x128xf32, #tpu.memory_space<vmem>> -> memref<1x64x128xf32, #tpu.memory_space<vmem>>
      %dma_wait3A_147 = tpu.memref_squeeze %dma_wait3A_146 : memref<1x64x128xf32, #tpu.memory_space<vmem>> -> memref<64x128xf32, #tpu.memory_space<vmem>>
      %dma_wait3A_148 = arith.constant 0 : i32
      %dma_wait3A_149 = tpu.memref_slice %arg9[%add3A_95, %dma_wait3A_148] : memref<5120x128xf32, #tpu.memory_space<vmem_shared>> -> memref<64x128xf32, #tpu.memory_space<vmem_shared>>
      %dma_wait3A_150 = arith.constant 0 : i32
      %dma_wait3A_151 = arith.constant 0 : i32
      %dma_wait3A_152 = tpu.memref_slice %arg8[%run_scoped3A_96, %dma_wait3A_150, %dma_wait3A_151] : memref<3x128x128xf32, #tpu.memory_space<vmem>> -> memref<1x64x128xf32, #tpu.memory_space<vmem>>
      %dma_wait3A_153 = tpu.memref_squeeze %dma_wait3A_152 : memref<1x64x128xf32, #tpu.memory_space<vmem>> -> memref<64x128xf32, #tpu.memory_space<vmem>>
      %dma_wait3A_154 = arith.constant 0 : i32
      %dma_wait3A_155 = tpu.memref_slice %arg9[%add3A_95, %dma_wait3A_154] : memref<5120x128xf32, #tpu.memory_space<vmem_shared>> -> memref<64x128xf32, #tpu.memory_space<vmem_shared>>
      tpu.wait_dma2 semaphore(%run_scoped3A_132 : memref<!tpu.dma_semaphore, #tpu.memory_space<semaphore_mem>>) src(%dma_wait3A_155 : memref<64x128xf32, #tpu.memory_space<vmem_shared>>) dst(%dma_wait3A_153 : memref<64x128xf32, #tpu.memory_space<vmem>>)
      tpu.yield
    }) : () -> ()
    %mul3A_97 = arith.constant 320 : i32
    %mul3A_98 = arith.muli %arg1, %mul3A_97 : i32
    %add3A_99 = arith.constant 64 : i32
    %add3A_100 = arith.addi %mul3A_98, %add3A_99 : i32
    %run_scoped3A_101 = arith.constant 0 : i32
    "tpu.region"() ({
      %run_scoped3A_132 = tpu.sem_alloc : memref<!tpu.dma_semaphore, #tpu.memory_space<semaphore_mem>>
      %dma_start3A_133 = arith.constant 0 : i32
      %dma_start3A_134 = arith.constant 0 : i32
      %dma_start3A_135 = tpu.memref_slice %arg8[%run_scoped3A_101, %dma_start3A_133, %dma_start3A_134] : memref<3x128x128xf32, #tpu.memory_space<vmem>> -> memref<1x64x128xf32, #tpu.memory_space<vmem>>
      %dma_start3A_136 = tpu.memref_squeeze %dma_start3A_135 : memref<1x64x128xf32, #tpu.memory_space<vmem>> -> memref<64x128xf32, #tpu.memory_space<vmem>>
      %dma_start3A_137 = arith.constant 0 : i32
      %dma_start3A_138 = tpu.memref_slice %arg5[%arg0, %add3A_100, %dma_start3A_137] : memref<2x5120x128xf32, #tpu.memory_space<hbm>> -> memref<1x64x128xf32, #tpu.memory_space<hbm>>
      %dma_start3A_139 = tpu.memref_squeeze %dma_start3A_138 : memref<1x64x128xf32, #tpu.memory_space<hbm>> -> memref<64x128xf32, #tpu.memory_space<hbm>>
      %dma_start3A_140 = arith.constant 0 : i32
      %dma_start3A_141 = tpu.memref_slice %arg5[%arg0, %add3A_100, %dma_start3A_140] : memref<2x5120x128xf32, #tpu.memory_space<hbm>> -> memref<1x64x128xf32, #tpu.memory_space<hbm>>
      %dma_start3A_142 = tpu.memref_squeeze %dma_start3A_141 : memref<1x64x128xf32, #tpu.memory_space<hbm>> -> memref<64x128xf32, #tpu.memory_space<hbm>>
      %dma_start3A_143 = arith.constant 0 : i32
      %dma_start3A_144 = arith.constant 0 : i32
      %dma_start3A_145 = tpu.memref_slice %arg8[%run_scoped3A_101, %dma_start3A_143, %dma_start3A_144] : memref<3x128x128xf32, #tpu.memory_space<vmem>> -> memref<1x64x128xf32, #tpu.memory_space<vmem>>
      %dma_start3A_146 = tpu.memref_squeeze %dma_start3A_145 : memref<1x64x128xf32, #tpu.memory_space<vmem>> -> memref<64x128xf32, #tpu.memory_space<vmem>>
      tpu.enqueue_dma source(%dma_start3A_146 : memref<64x128xf32, #tpu.memory_space<vmem>>) target(%dma_start3A_142 : memref<64x128xf32, #tpu.memory_space<hbm>>) target_semaphore(%run_scoped3A_132 : memref<!tpu.dma_semaphore, #tpu.memory_space<semaphore_mem>>)
      %dma_wait3A = arith.constant 0 : i32
      %dma_wait3A_147 = arith.constant 0 : i32
      %dma_wait3A_148 = tpu.memref_slice %arg8[%run_scoped3A_101, %dma_wait3A, %dma_wait3A_147] : memref<3x128x128xf32, #tpu.memory_space<vmem>> -> memref<1x64x128xf32, #tpu.memory_space<vmem>>
      %dma_wait3A_149 = tpu.memref_squeeze %dma_wait3A_148 : memref<1x64x128xf32, #tpu.memory_space<vmem>> -> memref<64x128xf32, #tpu.memory_space<vmem>>
      %dma_wait3A_150 = arith.constant 0 : i32
      %dma_wait3A_151 = tpu.memref_slice %arg5[%arg0, %add3A_100, %dma_wait3A_150] : memref<2x5120x128xf32, #tpu.memory_space<hbm>> -> memref<1x64x128xf32, #tpu.memory_space<hbm>>
      %dma_wait3A_152 = tpu.memref_squeeze %dma_wait3A_151 : memref<1x64x128xf32, #tpu.memory_space<hbm>> -> memref<64x128xf32, #tpu.memory_space<hbm>>
      %dma_wait3A_153 = arith.constant 0 : i32
      %dma_wait3A_154 = tpu.memref_slice %arg5[%arg0, %add3A_100, %dma_wait3A_153] : memref<2x5120x128xf32, #tpu.memory_space<hbm>> -> memref<1x64x128xf32, #tpu.memory_space<hbm>>
      %dma_wait3A_155 = tpu.memref_squeeze %dma_wait3A_154 : memref<1x64x128xf32, #tpu.memory_space<hbm>> -> memref<64x128xf32, #tpu.memory_space<hbm>>
      %dma_wait3A_156 = arith.constant 0 : i32
      %dma_wait3A_157 = arith.constant 0 : i32
      %dma_wait3A_158 = tpu.memref_slice %arg8[%run_scoped3A_101, %dma_wait3A_156, %dma_wait3A_157] : memref<3x128x128xf32, #tpu.memory_space<vmem>> -> memref<1x64x128xf32, #tpu.memory_space<vmem>>
      %dma_wait3A_159 = tpu.memref_squeeze %dma_wait3A_158 : memref<1x64x128xf32, #tpu.memory_space<vmem>> -> memref<64x128xf32, #tpu.memory_space<vmem>>
      tpu.wait_dma2 semaphore(%run_scoped3A_132 : memref<!tpu.dma_semaphore, #tpu.memory_space<semaphore_mem>>) src(%dma_wait3A_159 : memref<64x128xf32, #tpu.memory_space<vmem>>) dst(%dma_wait3A_155 : memref<64x128xf32, #tpu.memory_space<hbm>>)
      tpu.yield
    }) : () -> ()
    %mul3A_102 = arith.constant 320 : i32
    %mul3A_103 = arith.muli %arg1, %mul3A_102 : i32
    %add3A_104 = arith.constant 128 : i32
    %add3A_105 = arith.addi %mul3A_103, %add3A_104 : i32
    %run_scoped3A_106 = arith.constant 0 : i32
    "tpu.region"() ({
      %run_scoped3A_132 = tpu.sem_alloc : memref<!tpu.dma_semaphore, #tpu.memory_space<semaphore_mem>>
      %dma_start3A_133 = arith.constant 0 : i32
      %dma_start3A_134 = arith.constant 0 : i32
      %dma_start3A_135 = tpu.memref_slice %arg8[%run_scoped3A_106, %dma_start3A_133, %dma_start3A_134] : memref<3x128x128xf32, #tpu.memory_space<vmem>> -> memref<1x64x128xf32, #tpu.memory_space<vmem>>
      %dma_start3A_136 = tpu.memref_squeeze %dma_start3A_135 : memref<1x64x128xf32, #tpu.memory_space<vmem>> -> memref<64x128xf32, #tpu.memory_space<vmem>>
      %dma_start3A_137 = arith.constant 0 : i32
      %dma_start3A_138 = tpu.memref_slice %arg9[%add3A_105, %dma_start3A_137] : memref<5120x128xf32, #tpu.memory_space<vmem_shared>> -> memref<64x128xf32, #tpu.memory_space<vmem_shared>>
      %dma_start3A_139 = arith.constant 0 : i32
      %dma_start3A_140 = arith.constant 0 : i32
      %dma_start3A_141 = tpu.memref_slice %arg8[%run_scoped3A_106, %dma_start3A_139, %dma_start3A_140] : memref<3x128x128xf32, #tpu.memory_space<vmem>> -> memref<1x64x128xf32, #tpu.memory_space<vmem>>
      %dma_start3A_142 = tpu.memref_squeeze %dma_start3A_141 : memref<1x64x128xf32, #tpu.memory_space<vmem>> -> memref<64x128xf32, #tpu.memory_space<vmem>>
      %dma_start3A_143 = arith.constant 0 : i32
      %dma_start3A_144 = tpu.memref_slice %arg9[%add3A_105, %dma_start3A_143] : memref<5120x128xf32, #tpu.memory_space<vmem_shared>> -> memref<64x128xf32, #tpu.memory_space<vmem_shared>>
      tpu.enqueue_dma source(%dma_start3A_144 : memref<64x128xf32, #tpu.memory_space<vmem_shared>>) target(%dma_start3A_142 : memref<64x128xf32, #tpu.memory_space<vmem>>) target_semaphore(%run_scoped3A_132 : memref<!tpu.dma_semaphore, #tpu.memory_space<semaphore_mem>>)
      %dma_wait3A = arith.constant 0 : i32
      %dma_wait3A_145 = arith.constant 0 : i32
      %dma_wait3A_146 = tpu.memref_slice %arg8[%run_scoped3A_106, %dma_wait3A, %dma_wait3A_145] : memref<3x128x128xf32, #tpu.memory_space<vmem>> -> memref<1x64x128xf32, #tpu.memory_space<vmem>>
      %dma_wait3A_147 = tpu.memref_squeeze %dma_wait3A_146 : memref<1x64x128xf32, #tpu.memory_space<vmem>> -> memref<64x128xf32, #tpu.memory_space<vmem>>
      %dma_wait3A_148 = arith.constant 0 : i32
      %dma_wait3A_149 = tpu.memref_slice %arg9[%add3A_105, %dma_wait3A_148] : memref<5120x128xf32, #tpu.memory_space<vmem_shared>> -> memref<64x128xf32, #tpu.memory_space<vmem_shared>>
      %dma_wait3A_150 = arith.constant 0 : i32
      %dma_wait3A_151 = arith.constant 0 : i32
      %dma_wait3A_152 = tpu.memref_slice %arg8[%run_scoped3A_106, %dma_wait3A_150, %dma_wait3A_151] : memref<3x128x128xf32, #tpu.memory_space<vmem>> -> memref<1x64x128xf32, #tpu.memory_space<vmem>>
      %dma_wait3A_153 = tpu.memref_squeeze %dma_wait3A_152 : memref<1x64x128xf32, #tpu.memory_space<vmem>> -> memref<64x128xf32, #tpu.memory_space<vmem>>
      %dma_wait3A_154 = arith.constant 0 : i32
      %dma_wait3A_155 = tpu.memref_slice %arg9[%add3A_105, %dma_wait3A_154] : memref<5120x128xf32, #tpu.memory_space<vmem_shared>> -> memref<64x128xf32, #tpu.memory_space<vmem_shared>>
      tpu.wait_dma2 semaphore(%run_scoped3A_132 : memref<!tpu.dma_semaphore, #tpu.memory_space<semaphore_mem>>) src(%dma_wait3A_155 : memref<64x128xf32, #tpu.memory_space<vmem_shared>>) dst(%dma_wait3A_153 : memref<64x128xf32, #tpu.memory_space<vmem>>)
      tpu.yield
    }) : () -> ()
    %mul3A_107 = arith.constant 320 : i32
    %mul3A_108 = arith.muli %arg1, %mul3A_107 : i32
    %add3A_109 = arith.constant 128 : i32
    %add3A_110 = arith.addi %mul3A_108, %add3A_109 : i32
    %run_scoped3A_111 = arith.constant 0 : i32
    "tpu.region"() ({
      %run_scoped3A_132 = tpu.sem_alloc : memref<!tpu.dma_semaphore, #tpu.memory_space<semaphore_mem>>
      %dma_start3A_133 = arith.constant 0 : i32
      %dma_start3A_134 = arith.constant 0 : i32
      %dma_start3A_135 = tpu.memref_slice %arg8[%run_scoped3A_111, %dma_start3A_133, %dma_start3A_134] : memref<3x128x128xf32, #tpu.memory_space<vmem>> -> memref<1x64x128xf32, #tpu.memory_space<vmem>>
      %dma_start3A_136 = tpu.memref_squeeze %dma_start3A_135 : memref<1x64x128xf32, #tpu.memory_space<vmem>> -> memref<64x128xf32, #tpu.memory_space<vmem>>
      %dma_start3A_137 = arith.constant 0 : i32
      %dma_start3A_138 = tpu.memref_slice %arg5[%arg0, %add3A_110, %dma_start3A_137] : memref<2x5120x128xf32, #tpu.memory_space<hbm>> -> memref<1x64x128xf32, #tpu.memory_space<hbm>>
      %dma_start3A_139 = tpu.memref_squeeze %dma_start3A_138 : memref<1x64x128xf32, #tpu.memory_space<hbm>> -> memref<64x128xf32, #tpu.memory_space<hbm>>
      %dma_start3A_140 = arith.constant 0 : i32
      %dma_start3A_141 = tpu.memref_slice %arg5[%arg0, %add3A_110, %dma_start3A_140] : memref<2x5120x128xf32, #tpu.memory_space<hbm>> -> memref<1x64x128xf32, #tpu.memory_space<hbm>>
      %dma_start3A_142 = tpu.memref_squeeze %dma_start3A_141 : memref<1x64x128xf32, #tpu.memory_space<hbm>> -> memref<64x128xf32, #tpu.memory_space<hbm>>
      %dma_start3A_143 = arith.constant 0 : i32
      %dma_start3A_144 = arith.constant 0 : i32
      %dma_start3A_145 = tpu.memref_slice %arg8[%run_scoped3A_111, %dma_start3A_143, %dma_start3A_144] : memref<3x128x128xf32, #tpu.memory_space<vmem>> -> memref<1x64x128xf32, #tpu.memory_space<vmem>>
      %dma_start3A_146 = tpu.memref_squeeze %dma_start3A_145 : memref<1x64x128xf32, #tpu.memory_space<vmem>> -> memref<64x128xf32, #tpu.memory_space<vmem>>
      tpu.enqueue_dma source(%dma_start3A_146 : memref<64x128xf32, #tpu.memory_space<vmem>>) target(%dma_start3A_142 : memref<64x128xf32, #tpu.memory_space<hbm>>) target_semaphore(%run_scoped3A_132 : memref<!tpu.dma_semaphore, #tpu.memory_space<semaphore_mem>>)
      %dma_wait3A = arith.constant 0 : i32
      %dma_wait3A_147 = arith.constant 0 : i32
      %dma_wait3A_148 = tpu.memref_slice %arg8[%run_scoped3A_111, %dma_wait3A, %dma_wait3A_147] : memref<3x128x128xf32, #tpu.memory_space<vmem>> -> memref<1x64x128xf32, #tpu.memory_space<vmem>>
      %dma_wait3A_149 = tpu.memref_squeeze %dma_wait3A_148 : memref<1x64x128xf32, #tpu.memory_space<vmem>> -> memref<64x128xf32, #tpu.memory_space<vmem>>
      %dma_wait3A_150 = arith.constant 0 : i32
      %dma_wait3A_151 = tpu.memref_slice %arg5[%arg0, %add3A_110, %dma_wait3A_150] : memref<2x5120x128xf32, #tpu.memory_space<hbm>> -> memref<1x64x128xf32, #tpu.memory_space<hbm>>
      %dma_wait3A_152 = tpu.memref_squeeze %dma_wait3A_151 : memref<1x64x128xf32, #tpu.memory_space<hbm>> -> memref<64x128xf32, #tpu.memory_space<hbm>>
      %dma_wait3A_153 = arith.constant 0 : i32
      %dma_wait3A_154 = tpu.memref_slice %arg5[%arg0, %add3A_110, %dma_wait3A_153] : memref<2x5120x128xf32, #tpu.memory_space<hbm>> -> memref<1x64x128xf32, #tpu.memory_space<hbm>>
      %dma_wait3A_155 = tpu.memref_squeeze %dma_wait3A_154 : memref<1x64x128xf32, #tpu.memory_space<hbm>> -> memref<64x128xf32, #tpu.memory_space<hbm>>
      %dma_wait3A_156 = arith.constant 0 : i32
      %dma_wait3A_157 = arith.constant 0 : i32
      %dma_wait3A_158 = tpu.memref_slice %arg8[%run_scoped3A_111, %dma_wait3A_156, %dma_wait3A_157] : memref<3x128x128xf32, #tpu.memory_space<vmem>> -> memref<1x64x128xf32, #tpu.memory_space<vmem>>
      %dma_wait3A_159 = tpu.memref_squeeze %dma_wait3A_158 : memref<1x64x128xf32, #tpu.memory_space<vmem>> -> memref<64x128xf32, #tpu.memory_space<vmem>>
      tpu.wait_dma2 semaphore(%run_scoped3A_132 : memref<!tpu.dma_semaphore, #tpu.memory_space<semaphore_mem>>) src(%dma_wait3A_159 : memref<64x128xf32, #tpu.memory_space<vmem>>) dst(%dma_wait3A_155 : memref<64x128xf32, #tpu.memory_space<hbm>>)
      tpu.yield
    }) : () -> ()
    %mul3A_112 = arith.constant 320 : i32
    %mul3A_113 = arith.muli %arg1, %mul3A_112 : i32
    %add3A_114 = arith.constant 192 : i32
    %add3A_115 = arith.addi %mul3A_113, %add3A_114 : i32
    %run_scoped3A_116 = arith.constant 0 : i32
    "tpu.region"() ({
      %run_scoped3A_132 = tpu.sem_alloc : memref<!tpu.dma_semaphore, #tpu.memory_space<semaphore_mem>>
      %dma_start3A_133 = arith.constant 0 : i32
      %dma_start3A_134 = arith.constant 0 : i32
      %dma_start3A_135 = tpu.memref_slice %arg8[%run_scoped3A_116, %dma_start3A_133, %dma_start3A_134] : memref<3x128x128xf32, #tpu.memory_space<vmem>> -> memref<1x64x128xf32, #tpu.memory_space<vmem>>
      %dma_start3A_136 = tpu.memref_squeeze %dma_start3A_135 : memref<1x64x128xf32, #tpu.memory_space<vmem>> -> memref<64x128xf32, #tpu.memory_space<vmem>>
      %dma_start3A_137 = arith.constant 0 : i32
      %dma_start3A_138 = tpu.memref_slice %arg9[%add3A_115, %dma_start3A_137] : memref<5120x128xf32, #tpu.memory_space<vmem_shared>> -> memref<64x128xf32, #tpu.memory_space<vmem_shared>>
      %dma_start3A_139 = arith.constant 0 : i32
      %dma_start3A_140 = arith.constant 0 : i32
      %dma_start3A_141 = tpu.memref_slice %arg8[%run_scoped3A_116, %dma_start3A_139, %dma_start3A_140] : memref<3x128x128xf32, #tpu.memory_space<vmem>> -> memref<1x64x128xf32, #tpu.memory_space<vmem>>
      %dma_start3A_142 = tpu.memref_squeeze %dma_start3A_141 : memref<1x64x128xf32, #tpu.memory_space<vmem>> -> memref<64x128xf32, #tpu.memory_space<vmem>>
      %dma_start3A_143 = arith.constant 0 : i32
      %dma_start3A_144 = tpu.memref_slice %arg9[%add3A_115, %dma_start3A_143] : memref<5120x128xf32, #tpu.memory_space<vmem_shared>> -> memref<64x128xf32, #tpu.memory_space<vmem_shared>>
      tpu.enqueue_dma source(%dma_start3A_144 : memref<64x128xf32, #tpu.memory_space<vmem_shared>>) target(%dma_start3A_142 : memref<64x128xf32, #tpu.memory_space<vmem>>) target_semaphore(%run_scoped3A_132 : memref<!tpu.dma_semaphore, #tpu.memory_space<semaphore_mem>>)
      %dma_wait3A = arith.constant 0 : i32
      %dma_wait3A_145 = arith.constant 0 : i32
      %dma_wait3A_146 = tpu.memref_slice %arg8[%run_scoped3A_116, %dma_wait3A, %dma_wait3A_145] : memref<3x128x128xf32, #tpu.memory_space<vmem>> -> memref<1x64x128xf32, #tpu.memory_space<vmem>>
      %dma_wait3A_147 = tpu.memref_squeeze %dma_wait3A_146 : memref<1x64x128xf32, #tpu.memory_space<vmem>> -> memref<64x128xf32, #tpu.memory_space<vmem>>
      %dma_wait3A_148 = arith.constant 0 : i32
      %dma_wait3A_149 = tpu.memref_slice %arg9[%add3A_115, %dma_wait3A_148] : memref<5120x128xf32, #tpu.memory_space<vmem_shared>> -> memref<64x128xf32, #tpu.memory_space<vmem_shared>>
      %dma_wait3A_150 = arith.constant 0 : i32
      %dma_wait3A_151 = arith.constant 0 : i32
      %dma_wait3A_152 = tpu.memref_slice %arg8[%run_scoped3A_116, %dma_wait3A_150, %dma_wait3A_151] : memref<3x128x128xf32, #tpu.memory_space<vmem>> -> memref<1x64x128xf32, #tpu.memory_space<vmem>>
      %dma_wait3A_153 = tpu.memref_squeeze %dma_wait3A_152 : memref<1x64x128xf32, #tpu.memory_space<vmem>> -> memref<64x128xf32, #tpu.memory_space<vmem>>
      %dma_wait3A_154 = arith.constant 0 : i32
      %dma_wait3A_155 = tpu.memref_slice %arg9[%add3A_115, %dma_wait3A_154] : memref<5120x128xf32, #tpu.memory_space<vmem_shared>> -> memref<64x128xf32, #tpu.memory_space<vmem_shared>>
      tpu.wait_dma2 semaphore(%run_scoped3A_132 : memref<!tpu.dma_semaphore, #tpu.memory_space<semaphore_mem>>) src(%dma_wait3A_155 : memref<64x128xf32, #tpu.memory_space<vmem_shared>>) dst(%dma_wait3A_153 : memref<64x128xf32, #tpu.memory_space<vmem>>)
      tpu.yield
    }) : () -> ()
    %mul3A_117 = arith.constant 320 : i32
    %mul3A_118 = arith.muli %arg1, %mul3A_117 : i32
    %add3A_119 = arith.constant 192 : i32
    %add3A_120 = arith.addi %mul3A_118, %add3A_119 : i32
    %run_scoped3A_121 = arith.constant 0 : i32
    "tpu.region"() ({
      %run_scoped3A_132 = tpu.sem_alloc : memref<!tpu.dma_semaphore, #tpu.memory_space<semaphore_mem>>
      %dma_start3A_133 = arith.constant 0 : i32
      %dma_start3A_134 = arith.constant 0 : i32
      %dma_start3A_135 = tpu.memref_slice %arg8[%run_scoped3A_121, %dma_start3A_133, %dma_start3A_134] : memref<3x128x128xf32, #tpu.memory_space<vmem>> -> memref<1x64x128xf32, #tpu.memory_space<vmem>>
      %dma_start3A_136 = tpu.memref_squeeze %dma_start3A_135 : memref<1x64x128xf32, #tpu.memory_space<vmem>> -> memref<64x128xf32, #tpu.memory_space<vmem>>
      %dma_start3A_137 = arith.constant 0 : i32
      %dma_start3A_138 = tpu.memref_slice %arg5[%arg0, %add3A_120, %dma_start3A_137] : memref<2x5120x128xf32, #tpu.memory_space<hbm>> -> memref<1x64x128xf32, #tpu.memory_space<hbm>>
      %dma_start3A_139 = tpu.memref_squeeze %dma_start3A_138 : memref<1x64x128xf32, #tpu.memory_space<hbm>> -> memref<64x128xf32, #tpu.memory_space<hbm>>
      %dma_start3A_140 = arith.constant 0 : i32
      %dma_start3A_141 = tpu.memref_slice %arg5[%arg0, %add3A_120, %dma_start3A_140] : memref<2x5120x128xf32, #tpu.memory_space<hbm>> -> memref<1x64x128xf32, #tpu.memory_space<hbm>>
      %dma_start3A_142 = tpu.memref_squeeze %dma_start3A_141 : memref<1x64x128xf32, #tpu.memory_space<hbm>> -> memref<64x128xf32, #tpu.memory_space<hbm>>
      %dma_start3A_143 = arith.constant 0 : i32
      %dma_start3A_144 = arith.constant 0 : i32
      %dma_start3A_145 = tpu.memref_slice %arg8[%run_scoped3A_121, %dma_start3A_143, %dma_start3A_144] : memref<3x128x128xf32, #tpu.memory_space<vmem>> -> memref<1x64x128xf32, #tpu.memory_space<vmem>>
      %dma_start3A_146 = tpu.memref_squeeze %dma_start3A_145 : memref<1x64x128xf32, #tpu.memory_space<vmem>> -> memref<64x128xf32, #tpu.memory_space<vmem>>
      tpu.enqueue_dma source(%dma_start3A_146 : memref<64x128xf32, #tpu.memory_space<vmem>>) target(%dma_start3A_142 : memref<64x128xf32, #tpu.memory_space<hbm>>) target_semaphore(%run_scoped3A_132 : memref<!tpu.dma_semaphore, #tpu.memory_space<semaphore_mem>>)
      %dma_wait3A = arith.constant 0 : i32
      %dma_wait3A_147 = arith.constant 0 : i32
      %dma_wait3A_148 = tpu.memref_slice %arg8[%run_scoped3A_121, %dma_wait3A, %dma_wait3A_147] : memref<3x128x128xf32, #tpu.memory_space<vmem>> -> memref<1x64x128xf32, #tpu.memory_space<vmem>>
      %dma_wait3A_149 = tpu.memref_squeeze %dma_wait3A_148 : memref<1x64x128xf32, #tpu.memory_space<vmem>> -> memref<64x128xf32, #tpu.memory_space<vmem>>
      %dma_wait3A_150 = arith.constant 0 : i32
      %dma_wait3A_151 = tpu.memref_slice %arg5[%arg0, %add3A_120, %dma_wait3A_150] : memref<2x5120x128xf32, #tpu.memory_space<hbm>> -> memref<1x64x128xf32, #tpu.memory_space<hbm>>
      %dma_wait3A_152 = tpu.memref_squeeze %dma_wait3A_151 : memref<1x64x128xf32, #tpu.memory_space<hbm>> -> memref<64x128xf32, #tpu.memory_space<hbm>>
      %dma_wait3A_153 = arith.constant 0 : i32
      %dma_wait3A_154 = tpu.memref_slice %arg5[%arg0, %add3A_120, %dma_wait3A_153] : memref<2x5120x128xf32, #tpu.memory_space<hbm>> -> memref<1x64x128xf32, #tpu.memory_space<hbm>>
      %dma_wait3A_155 = tpu.memref_squeeze %dma_wait3A_154 : memref<1x64x128xf32, #tpu.memory_space<hbm>> -> memref<64x128xf32, #tpu.memory_space<hbm>>
      %dma_wait3A_156 = arith.constant 0 : i32
      %dma_wait3A_157 = arith.constant 0 : i32
      %dma_wait3A_158 = tpu.memref_slice %arg8[%run_scoped3A_121, %dma_wait3A_156, %dma_wait3A_157] : memref<3x128x128xf32, #tpu.memory_space<vmem>> -> memref<1x64x128xf32, #tpu.memory_space<vmem>>
      %dma_wait3A_159 = tpu.memref_squeeze %dma_wait3A_158 : memref<1x64x128xf32, #tpu.memory_space<vmem>> -> memref<64x128xf32, #tpu.memory_space<vmem>>
      tpu.wait_dma2 semaphore(%run_scoped3A_132 : memref<!tpu.dma_semaphore, #tpu.memory_space<semaphore_mem>>) src(%dma_wait3A_159 : memref<64x128xf32, #tpu.memory_space<vmem>>) dst(%dma_wait3A_155 : memref<64x128xf32, #tpu.memory_space<hbm>>)
      tpu.yield
    }) : () -> ()
    %mul3A_122 = arith.constant 320 : i32
    %mul3A_123 = arith.muli %arg1, %mul3A_122 : i32
    %add3A_124 = arith.constant 256 : i32
    %add3A_125 = arith.addi %mul3A_123, %add3A_124 : i32
    %run_scoped3A_126 = arith.constant 0 : i32
    "tpu.region"() ({
      %run_scoped3A_132 = tpu.sem_alloc : memref<!tpu.dma_semaphore, #tpu.memory_space<semaphore_mem>>
      %dma_start3A_133 = arith.constant 0 : i32
      %dma_start3A_134 = arith.constant 0 : i32
      %dma_start3A_135 = tpu.memref_slice %arg8[%run_scoped3A_126, %dma_start3A_133, %dma_start3A_134] : memref<3x128x128xf32, #tpu.memory_space<vmem>> -> memref<1x64x128xf32, #tpu.memory_space<vmem>>
      %dma_start3A_136 = tpu.memref_squeeze %dma_start3A_135 : memref<1x64x128xf32, #tpu.memory_space<vmem>> -> memref<64x128xf32, #tpu.memory_space<vmem>>
      %dma_start3A_137 = arith.constant 0 : i32
      %dma_start3A_138 = tpu.memref_slice %arg9[%add3A_125, %dma_start3A_137] : memref<5120x128xf32, #tpu.memory_space<vmem_shared>> -> memref<64x128xf32, #tpu.memory_space<vmem_shared>>
      %dma_start3A_139 = arith.constant 0 : i32
      %dma_start3A_140 = arith.constant 0 : i32
      %dma_start3A_141 = tpu.memref_slice %arg8[%run_scoped3A_126, %dma_start3A_139, %dma_start3A_140] : memref<3x128x128xf32, #tpu.memory_space<vmem>> -> memref<1x64x128xf32, #tpu.memory_space<vmem>>
      %dma_start3A_142 = tpu.memref_squeeze %dma_start3A_141 : memref<1x64x128xf32, #tpu.memory_space<vmem>> -> memref<64x128xf32, #tpu.memory_space<vmem>>
      %dma_start3A_143 = arith.constant 0 : i32
      %dma_start3A_144 = tpu.memref_slice %arg9[%add3A_125, %dma_start3A_143] : memref<5120x128xf32, #tpu.memory_space<vmem_shared>> -> memref<64x128xf32, #tpu.memory_space<vmem_shared>>
      tpu.enqueue_dma source(%dma_start3A_144 : memref<64x128xf32, #tpu.memory_space<vmem_shared>>) target(%dma_start3A_142 : memref<64x128xf32, #tpu.memory_space<vmem>>) target_semaphore(%run_scoped3A_132 : memref<!tpu.dma_semaphore, #tpu.memory_space<semaphore_mem>>)
      %dma_wait3A = arith.constant 0 : i32
      %dma_wait3A_145 = arith.constant 0 : i32
      %dma_wait3A_146 = tpu.memref_slice %arg8[%run_scoped3A_126, %dma_wait3A, %dma_wait3A_145] : memref<3x128x128xf32, #tpu.memory_space<vmem>> -> memref<1x64x128xf32, #tpu.memory_space<vmem>>
      %dma_wait3A_147 = tpu.memref_squeeze %dma_wait3A_146 : memref<1x64x128xf32, #tpu.memory_space<vmem>> -> memref<64x128xf32, #tpu.memory_space<vmem>>
      %dma_wait3A_148 = arith.constant 0 : i32
      %dma_wait3A_149 = tpu.memref_slice %arg9[%add3A_125, %dma_wait3A_148] : memref<5120x128xf32, #tpu.memory_space<vmem_shared>> -> memref<64x128xf32, #tpu.memory_space<vmem_shared>>
      %dma_wait3A_150 = arith.constant 0 : i32
      %dma_wait3A_151 = arith.constant 0 : i32
      %dma_wait3A_152 = tpu.memref_slice %arg8[%run_scoped3A_126, %dma_wait3A_150, %dma_wait3A_151] : memref<3x128x128xf32, #tpu.memory_space<vmem>> -> memref<1x64x128xf32, #tpu.memory_space<vmem>>
      %dma_wait3A_153 = tpu.memref_squeeze %dma_wait3A_152 : memref<1x64x128xf32, #tpu.memory_space<vmem>> -> memref<64x128xf32, #tpu.memory_space<vmem>>
      %dma_wait3A_154 = arith.constant 0 : i32
      %dma_wait3A_155 = tpu.memref_slice %arg9[%add3A_125, %dma_wait3A_154] : memref<5120x128xf32, #tpu.memory_space<vmem_shared>> -> memref<64x128xf32, #tpu.memory_space<vmem_shared>>
      tpu.wait_dma2 semaphore(%run_scoped3A_132 : memref<!tpu.dma_semaphore, #tpu.memory_space<semaphore_mem>>) src(%dma_wait3A_155 : memref<64x128xf32, #tpu.memory_space<vmem_shared>>) dst(%dma_wait3A_153 : memref<64x128xf32, #tpu.memory_space<vmem>>)
      tpu.yield
    }) : () -> ()
    %mul3A_127 = arith.constant 320 : i32
    %mul3A_128 = arith.muli %arg1, %mul3A_127 : i32
    %add3A_129 = arith.constant 256 : i32
    %add3A_130 = arith.addi %mul3A_128, %add3A_129 : i32
    %run_scoped3A_131 = arith.constant 0 : i32
    "tpu.region"() ({
      %run_scoped3A_132 = tpu.sem_alloc : memref<!tpu.dma_semaphore, #tpu.memory_space<semaphore_mem>>
      %dma_start3A_133 = arith.constant 0 : i32
      %dma_start3A_134 = arith.constant 0 : i32
      %dma_start3A_135 = tpu.memref_slice %arg8[%run_scoped3A_131, %dma_start3A_133, %dma_start3A_134] : memref<3x128x128xf32, #tpu.memory_space<vmem>> -> memref<1x64x128xf32, #tpu.memory_space<vmem>>
      %dma_start3A_136 = tpu.memref_squeeze %dma_start3A_135 : memref<1x64x128xf32, #tpu.memory_space<vmem>> -> memref<64x128xf32, #tpu.memory_space<vmem>>
      %dma_start3A_137 = arith.constant 0 : i32
      %dma_start3A_138 = tpu.memref_slice %arg5[%arg0, %add3A_130, %dma_start3A_137] : memref<2x5120x128xf32, #tpu.memory_space<hbm>> -> memref<1x64x128xf32, #tpu.memory_space<hbm>>
      %dma_start3A_139 = tpu.memref_squeeze %dma_start3A_138 : memref<1x64x128xf32, #tpu.memory_space<hbm>> -> memref<64x128xf32, #tpu.memory_space<hbm>>
      %dma_start3A_140 = arith.constant 0 : i32
      %dma_start3A_141 = tpu.memref_slice %arg5[%arg0, %add3A_130, %dma_start3A_140] : memref<2x5120x128xf32, #tpu.memory_space<hbm>> -> memref<1x64x128xf32, #tpu.memory_space<hbm>>
      %dma_start3A_142 = tpu.memref_squeeze %dma_start3A_141 : memref<1x64x128xf32, #tpu.memory_space<hbm>> -> memref<64x128xf32, #tpu.memory_space<hbm>>
      %dma_start3A_143 = arith.constant 0 : i32
      %dma_start3A_144 = arith.constant 0 : i32
      %dma_start3A_145 = tpu.memref_slice %arg8[%run_scoped3A_131, %dma_start3A_143, %dma_start3A_144] : memref<3x128x128xf32, #tpu.memory_space<vmem>> -> memref<1x64x128xf32, #tpu.memory_space<vmem>>
      %dma_start3A_146 = tpu.memref_squeeze %dma_start3A_145 : memref<1x64x128xf32, #tpu.memory_space<vmem>> -> memref<64x128xf32, #tpu.memory_space<vmem>>
      tpu.enqueue_dma source(%dma_start3A_146 : memref<64x128xf32, #tpu.memory_space<vmem>>) target(%dma_start3A_142 : memref<64x128xf32, #tpu.memory_space<hbm>>) target_semaphore(%run_scoped3A_132 : memref<!tpu.dma_semaphore, #tpu.memory_space<semaphore_mem>>)
      %dma_wait3A = arith.constant 0 : i32
      %dma_wait3A_147 = arith.constant 0 : i32
      %dma_wait3A_148 = tpu.memref_slice %arg8[%run_scoped3A_131, %dma_wait3A, %dma_wait3A_147] : memref<3x128x128xf32, #tpu.memory_space<vmem>> -> memref<1x64x128xf32, #tpu.memory_space<vmem>>
      %dma_wait3A_149 = tpu.memref_squeeze %dma_wait3A_148 : memref<1x64x128xf32, #tpu.memory_space<vmem>> -> memref<64x128xf32, #tpu.memory_space<vmem>>
      %dma_wait3A_150 = arith.constant 0 : i32
      %dma_wait3A_151 = tpu.memref_slice %arg5[%arg0, %add3A_130, %dma_wait3A_150] : memref<2x5120x128xf32, #tpu.memory_space<hbm>> -> memref<1x64x128xf32, #tpu.memory_space<hbm>>
      %dma_wait3A_152 = tpu.memref_squeeze %dma_wait3A_151 : memref<1x64x128xf32, #tpu.memory_space<hbm>> -> memref<64x128xf32, #tpu.memory_space<hbm>>
      %dma_wait3A_153 = arith.constant 0 : i32
      %dma_wait3A_154 = tpu.memref_slice %arg5[%arg0, %add3A_130, %dma_wait3A_153] : memref<2x5120x128xf32, #tpu.memory_space<hbm>> -> memref<1x64x128xf32, #tpu.memory_space<hbm>>
      %dma_wait3A_155 = tpu.memref_squeeze %dma_wait3A_154 : memref<1x64x128xf32, #tpu.memory_space<hbm>> -> memref<64x128xf32, #tpu.memory_space<hbm>>
      %dma_wait3A_156 = arith.constant 0 : i32
      %dma_wait3A_157 = arith.constant 0 : i32
      %dma_wait3A_158 = tpu.memref_slice %arg8[%run_scoped3A_131, %dma_wait3A_156, %dma_wait3A_157] : memref<3x128x128xf32, #tpu.memory_space<vmem>> -> memref<1x64x128xf32, #tpu.memory_space<vmem>>
      %dma_wait3A_159 = tpu.memref_squeeze %dma_wait3A_158 : memref<1x64x128xf32, #tpu.memory_space<vmem>> -> memref<64x128xf32, #tpu.memory_space<vmem>>
      tpu.wait_dma2 semaphore(%run_scoped3A_132 : memref<!tpu.dma_semaphore, #tpu.memory_space<semaphore_mem>>) src(%dma_wait3A_159 : memref<64x128xf32, #tpu.memory_space<vmem>>) dst(%dma_wait3A_155 : memref<64x128xf32, #tpu.memory_space<hbm>>)
      tpu.yield
    }) : () -> ()
    return
  }
}

module attributes {stable_mosaic.version = 14 : i64} {
  func.func @body(%arg0: i32, %arg1: memref<1024x128xf32, #tpu.memory_space<vmem>>, %arg2: memref<128x128xf32, #tpu.memory_space<vmem>>, %arg3: memref<1024x2xf32, #tpu.memory_space<vmem>>, %arg4: memref<1024x2x128xf32, #tpu.memory_space<vmem>>) attributes {dimension_semantics = [#tpu.dimension_semantics<arbitrary>], iteration_bounds = array<i64: 10>, scalar_prefetch = 0 : i64, scratch_operands = 0 : i64, tpu.core_type = #tpu.core_type<tc>, window_params = [{transform_indices = @transform_0, window_bounds = array<i64: 1024, 128>}, {pipeline_mode = #tpu.pipeline_mode<synchronous>, transform_indices = @transform_1, window_bounds = array<i64: 128, 128>}, {transform_indices = @transform_2, window_bounds = array<i64: 1024, 2>}, {transform_indices = @transform_3, window_bounds = array<i64: 1024, 2, 128>}]} {
    %get3A = arith.constant 0 : index
    %get3A_0 = arith.constant 0 : index
    %get3A_1 = vector.load %arg3[%get3A, %get3A_0] : memref<1024x2xf32, #tpu.memory_space<vmem>>, vector<1024x2xf32>
    %slice3A = vector.extract_strided_slice %get3A_1 {offsets = [0, 0], sizes = [1024, 1], strides = [1, 1]} : vector<1024x2xf32> to vector<1024x1xf32>
    %slice3A_2 = vector.extract_strided_slice %get3A_1 {offsets = [0, 1], sizes = [1024, 1], strides = [1, 1]} : vector<1024x2xf32> to vector<1024x1xf32>
    %add3A = arith.addf %slice3A, %slice3A_2 : vector<1024x1xf32>
    %add3A_3 = arith.constant 1.000000e+00 : f32
    %add3A_4 = vector.broadcast %add3A_3 : f32 to vector<1024x1xf32>
    %add3A_5 = arith.addf %add3A, %add3A_4 : vector<1024x1xf32>
    %rsqrt3A = math.rsqrt %add3A_5 : vector<1024x1xf32>
    %get3A_6 = arith.constant 0 : index
    %get3A_7 = arith.constant 0 : index
    %get3A_8 = vector.load %arg1[%get3A_6, %get3A_7] : memref<1024x128xf32, #tpu.memory_space<vmem>>, vector<1024x128xf32>
    %get3A_9 = arith.constant 0 : index
    %get3A_10 = arith.constant 0 : index
    %get3A_11 = vector.load %arg2[%get3A_9, %get3A_10] : memref<128x128xf32, #tpu.memory_space<vmem>>, vector<128x128xf32>
    %dot_general3A = arith.constant dense<0.000000e+00> : vector<1024x128xf32>
    %dot_general3A_12 = tpu.matmul %get3A_8, %get3A_11, %dot_general3A {dimension_numbers = #tpu.dot_dimension_numbers<[1], [0], [0], [1], [0, 0, 1, 1], [], []>, transpose_lhs_hint = false} : vector<1024x128xf32>, vector<128x128xf32>, vector<1024x128xf32> -> vector<1024x128xf32>
    %mul3A = vector.broadcast %rsqrt3A : vector<1024x1xf32> to vector<1024x128xf32>
    %mul3A_13 = arith.mulf %dot_general3A_12, %mul3A : vector<1024x128xf32>
    %swap3A = arith.constant 0 : index
    %swap3A_14 = arith.constant 0 : index
    %swap3A_15 = arith.constant 0 : index
    %swap3A_16 = vector.load %arg4[%swap3A, %swap3A_14, %swap3A_15] : memref<1024x2x128xf32, #tpu.memory_space<vmem>>, vector<1024x1x128xf32>
    %swap3A_17 = vector.shape_cast %swap3A_16 : vector<1024x1x128xf32> to vector<1024x128xf32>
    %swap3A_18 = vector.shape_cast %mul3A_13 : vector<1024x128xf32> to vector<1024x1x128xf32>
    tpu.vector_store %arg4[%swap3A, %swap3A_14, %swap3A_15], %swap3A_18 {strides = array<i32>} : memref<1024x2x128xf32, #tpu.memory_space<vmem>>, vector<1024x1x128xf32>,
    %slice3A_19 = vector.extract_strided_slice %mul3A_13 {offsets = [0, 64], sizes = [1024, 64], strides = [1, 1]} : vector<1024x128xf32> to vector<1024x64xf32>
    %slice3A_20 = vector.extract_strided_slice %mul3A_13 {offsets = [0, 0], sizes = [1024, 64], strides = [1, 1]} : vector<1024x128xf32> to vector<1024x64xf32>
    %concatenate3A = tpu.concatenate %slice3A_19, %slice3A_20 in 1 : vector<1024x64xf32>, vector<1024x64xf32> -> vector<1024x128xf32>
    %swap3A_21 = arith.constant 0 : index
    %swap3A_22 = arith.constant 1 : index
    %swap3A_23 = arith.constant 0 : index
    %swap3A_24 = vector.load %arg4[%swap3A_21, %swap3A_22, %swap3A_23] : memref<1024x2x128xf32, #tpu.memory_space<vmem>>, vector<1024x1x128xf32>
    %swap3A_25 = vector.shape_cast %swap3A_24 : vector<1024x1x128xf32> to vector<1024x128xf32>
    %swap3A_26 = vector.shape_cast %concatenate3A : vector<1024x128xf32> to vector<1024x1x128xf32>
    tpu.vector_store %arg4[%swap3A_21, %swap3A_22, %swap3A_23], %swap3A_26 {strides = array<i32>} : memref<1024x2x128xf32, #tpu.memory_space<vmem>>, vector<1024x1x128xf32>,
    return
  }
  func.func @transform_0(%arg0: i32) -> (i32, i32) {
    %c0_i32 = arith.constant 0 : i32
    %c0_i32_0 = arith.constant 0 : i32
    return %arg0, %c0_i32 : i32, i32
  }
  func.func @transform_1(%arg0: i32) -> (i32, i32) {
    %c0_i32 = arith.constant 0 : i32
    %c0_i32_0 = arith.constant 0 : i32
    %c0_i32_1 = arith.constant 0 : i32
    return %c0_i32, %c0_i32_0 : i32, i32
  }
  func.func @transform_2(%arg0: i32) -> (i32, i32) {
    %c0_i32 = arith.constant 0 : i32
    %c0_i32_0 = arith.constant 0 : i32
    return %arg0, %c0_i32 : i32, i32
  }
  func.func @transform_3(%arg0: i32) -> (i32, i32, i32) {
    %c0_i32 = arith.constant 0 : i32
    %c0_i32_0 = arith.constant 0 : i32
    %c0_i32_1 = arith.constant 0 : i32
    return %arg0, %c0_i32, %c0_i32_0 : i32, i32, i32
  }
}

module attributes {stable_mosaic.version = 14 : i64} {
  func.func @body(%arg0: i32, %arg1: memref<1024x2xf32, #tpu.memory_space<vmem>>, %arg2: memref<2x1024x64xf32, #tpu.memory_space<vmem>>, %arg3: memref<1024x2x128xf32, #tpu.memory_space<vmem>>, %arg4: memref<1024x64xf32, #tpu.memory_space<vmem>>) attributes {dimension_semantics = [#tpu.dimension_semantics<arbitrary>], iteration_bounds = array<i64: 10>, scalar_prefetch = 0 : i64, scratch_operands = 0 : i64, tpu.core_type = #tpu.core_type<tc>, window_params = [{transform_indices = @transform_0, window_bounds = array<i64: 1024, 2>}, {transform_indices = @transform_1, window_bounds = array<i64: 2, 1024, 64>}, {transform_indices = @transform_2, window_bounds = array<i64: 1024, 2, 128>}, {transform_indices = @transform_3, window_bounds = array<i64: 1024, 64>}]} {
    %get3A = arith.constant 0 : index
    %get3A_0 = arith.constant 0 : index
    %get3A_1 = vector.load %arg1[%get3A, %get3A_0] : memref<1024x2xf32, #tpu.memory_space<vmem>>, vector<1024x2xf32>
    %slice3A = vector.extract_strided_slice %get3A_1 {offsets = [0, 0], sizes = [1024, 1], strides = [1, 1]} : vector<1024x2xf32> to vector<1024x1xf32>
    %slice3A_2 = vector.extract_strided_slice %get3A_1 {offsets = [0, 1], sizes = [1024, 1], strides = [1, 1]} : vector<1024x2xf32> to vector<1024x1xf32>
    %add3A = arith.addf %slice3A, %slice3A_2 : vector<1024x1xf32>
    %add3A_3 = arith.constant 1.000000e+00 : f32
    %add3A_4 = vector.broadcast %add3A_3 : f32 to vector<1024x1xf32>
    %add3A_5 = arith.addf %add3A, %add3A_4 : vector<1024x1xf32>
    %rsqrt3A = math.rsqrt %add3A_5 : vector<1024x1xf32>
    %get3A_6 = arith.constant 0 : index
    %get3A_7 = arith.constant 0 : index
    %get3A_8 = arith.constant 0 : index
    %get3A_9 = vector.load %arg2[%get3A_6, %get3A_7, %get3A_8] : memref<2x1024x64xf32, #tpu.memory_space<vmem>>, vector<1x1024x64xf32>
    %get3A_10 = vector.shape_cast %get3A_9 : vector<1x1024x64xf32> to vector<1024x64xf32>
    %get3A_11 = arith.constant 1 : index
    %get3A_12 = arith.constant 0 : index
    %get3A_13 = arith.constant 0 : index
    %get3A_14 = vector.load %arg2[%get3A_11, %get3A_12, %get3A_13] : memref<2x1024x64xf32, #tpu.memory_space<vmem>>, vector<1x1024x64xf32>
    %get3A_15 = vector.shape_cast %get3A_14 : vector<1x1024x64xf32> to vector<1024x64xf32>
    %add3A_16 = arith.addf %get3A_10, %get3A_15 : vector<1024x64xf32>
    %get3A_17 = arith.constant 0 : index
    %get3A_18 = arith.constant 0 : index
    %get3A_19 = arith.constant 0 : index
    %get3A_20 = vector.load %arg3[%get3A_17, %get3A_18, %get3A_19] : memref<1024x2x128xf32, #tpu.memory_space<vmem>>, vector<1024x1x64xf32>
    %get3A_21 = vector.shape_cast %get3A_20 : vector<1024x1x64xf32> to vector<1024x64xf32>
    %add3A_22 = arith.addf %add3A_16, %get3A_21 : vector<1024x64xf32>
    %mul3A = vector.broadcast %rsqrt3A : vector<1024x1xf32> to vector<1024x64xf32>
    %mul3A_23 = arith.mulf %add3A_22, %mul3A : vector<1024x64xf32>
    %swap3A = arith.constant 0 : index
    %swap3A_24 = arith.constant 0 : index
    %swap3A_25 = vector.load %arg4[%swap3A, %swap3A_24] : memref<1024x64xf32, #tpu.memory_space<vmem>>, vector<1024x64xf32>
    tpu.vector_store %arg4[%swap3A, %swap3A_24], %mul3A_23 {strides = array<i32>} : memref<1024x64xf32, #tpu.memory_space<vmem>>, vector<1024x64xf32>,
    return
  }
  func.func @transform_0(%arg0: i32) -> (i32, i32) {
    %c0_i32 = arith.constant 0 : i32
    %c0_i32_0 = arith.constant 0 : i32
    return %arg0, %c0_i32 : i32, i32
  }
  func.func @transform_1(%arg0: i32) -> (i32, i32, i32) {
    %c0_i32 = arith.constant 0 : i32
    %c0_i32_0 = arith.constant 0 : i32
    %c0_i32_1 = arith.constant 0 : i32
    return %c0_i32, %arg0, %c0_i32_0 : i32, i32, i32
  }
  func.func @transform_2(%arg0: i32) -> (i32, i32, i32) {
    %c0_i32 = arith.constant 0 : i32
    %c0_i32_0 = arith.constant 0 : i32
    %c0_i32_1 = arith.constant 0 : i32
    return %arg0, %c0_i32, %c0_i32_0 : i32, i32, i32
  }
  func.func @transform_3(%arg0: i32) -> (i32, i32) {
    %c0_i32 = arith.constant 0 : i32
    %c0_i32_0 = arith.constant 0 : i32
    return %arg0, %c0_i32 : i32, i32
  }
}

</mosaic_0001>

<sc_bundles>
// kernel: kernel.6.cloned.1.call-start
scs
__scs_entry_jumppad:
0x0: {  	(pc) =	sbr.rel $0x88, $3  }
0x1: {  	(tag) =	ssettag $0x0;
	lr =	simm.s32 $0x1  }
0x2: {  	[smem:$0x3F9E] =	sst lr;
	_ =	strace $0xD0000000  }
0x3: {  	_ = 	snop  }
0x4: {  	_ = 	snop  }
0x5: {  	_ = 	snop  }
0x6: {  	_ = 	snop  }
0x7: {  	_ = 	snop  }
__scs_overlays_trampoline_lowered:
0x8: {  	[smem:$0x3FAD] =	sst s0  }
0x9: {  	[smem:$0x3FAE] =	sst s1  }
0xa: {  	[smem:$0x3FAF] =	sst s2  }
0xb: {  	[smem:$0x3FB0] =	sst s3  }
0xc: {  	[smem:$0x3FB1] =	sst s4  }
0xd: {  	[smem:$0x3FB2] =	sst s5  }
0xe: {  	[smem:$0x3FB3] =	sst s6  }
0xf: {  	[smem:$0x3FB4] =	sst s7  }
0x10: {  	[smem:$0x3FB5] =	sst s8  }
0x11: {  	[smem:$0x3FB6] =	sst s9;
	s0 =	simm.s32 @!p0 $0x0  }
0x12: {  	s1 =	sld [smem:$0x3F9C];
	s0 =	simm.s32 @p0 $0x1  }
0x13: {  	[smem:$0x3FB7] =	sst s0;
	s0 =	simm.s32 @!p1 $0x0  }
0x14: {  	s2 =	sld [smem:$0x3F9B];
	s0 =	simm.s32 @p1 $0x1  }
0x15: {  	[smem:$0x3FB8] =	sst s0;
	s0 =	simm.s32 @!p2 $0x0  }
0x16: {  	s3 =	sld [smem:$0x3FDB];
	s0 =	simm.s32 @p2 $0x1  }
0x17: {  	s4 =	simm.s32 $0x1BF5;
	[smem:$0x3FBA] =	sst s0  }
0x18: {  	s0 =	sld [smem:$0x3F9D];
	_ =	swait.ge [sflag:s4], $0x0  }
0x19: {  	s7 =	sld [smem:$0x3F9E]  }
0x1a: {  	s8 =	sadd.s32 $0xFFFFE003, lr  }
0x1b: {  	s9 =	sadd.s32 $0xFFFFFEF7, lr;
	s5 =	simm.s32 $0xFFFFFFFF;
	p2 =	slt.u32 s8, $0xFFFFF086  }
0x1c: {  	p1 =	slt.u32 s9, $0xF7A;
	s5 =	simm.s32 @!p2 $0x0  }
0x1d: {  	s5 =	simm.s32 @p1 $0x1;
	p0 =	seq.s32 s7, s2  }
0x1e: {  	s7 =	smul.u32 @!p0 $0xF7A, s2;
	p2 =	seq.s32 @!p0 s5, $0x0  }
0x1f: {  	s9 =	smul.u32 $0xF7A, s1;
	s8 =	simm.s32 @!p0 $0x1BF5;
	p2 =	por !p2, p0  }
0x20: {  	[sflag:s8] =	ssyncset.s32 @!p0 $0xFFFFF086;
	s6 =	sadd.s32 @!p0 s3, s7;
	s7 =	simm.s32 @!p0 $0x108  }
0x21: {  	s3 =	sadd.s32 s3, s9;
	s6 =	sadd.s32 @!p0 $0x88, s6;
	s7 =	simm.s32 @p2 $0x1082  }
0x22: {  	[simem:s7], [sflag:s8] =	dma.local @!p0 [hbm:s6], $0xF7A  }
0x23: {  	s9 =	sor.u32 $0xD0000000, s2;
	s6 =	simm.s32 $0x108;
	_ =	swait.ge @!p0 [sflag:s8], $0x0  }
0x24: {  	s3 =	sadd.s32 $0x88, s3;
	s6 =	simm.s32 @!p1 $0x1082;
	[sflag:s4] =	ssyncset.s32 $0xFFFFF086  }
0x25: {  	[simem:s6], [sflag:s4] =	dma.local [hbm:s3], $0xF7A  }
0x26: {  	[smem:$0x3F9E] =	sst s1;
	(tag) =	ssettag s2;
	_ =	strace s9  }
0x27: {  	s1 =	sld [smem:$0x3FAE]  }
0x28: {  	s2 =	sld [smem:$0x3FAF]  }
0x29: {  	s4 =	sld [smem:$0x3FB1]  }
0x2a: {  	p0 =	seq.s32 s5, $0x0;
	s5 =	sld [smem:$0x3FB2]  }
0x2b: {  	s6 =	sld [smem:$0x3FB3]  }
0x2c: {  	s7 =	sld [smem:$0x3FB4]  }
0x2d: {  	s3 =	simm.s32 $0x108;
	s8 =	sld [smem:$0x3FB5]  }
0x2e: {  	s3 =	simm.s32 @!p0 $0x1082;
	s9 =	sld [smem:$0x3FB6]  }
0x2f: {  	lr =	sadd.s32 s0, s3;
	s0 =	sld [smem:$0x3FAD]  }
0x30: {  	s3 =	sld [smem:$0x3FB0]  }
0x31: {  	[smem:$0x3FB9] =	sst s10  }
0x32: {  	s10 =	sld [smem:$0x3FB7];
	_ =	sdelay $0x3  }
0x33: {  	p0 =	seq.s32 s10, $0x1;
	s10 =	sld [smem:$0x3FB9];
	_ =	sdelay $0x3  }
0x34: {  	[smem:$0x3FB9] =	sst s10  }
0x35: {  	s10 =	sld [smem:$0x3FB8];
	_ =	sdelay $0x3  }
0x36: {  	p1 =	seq.s32 s10, $0x1;
	s10 =	sld [smem:$0x3FB9];
	_ =	sdelay $0x3  }
0x37: {  	[smem:$0x3FB9] =	sst s10  }
0x38: {  	s10 =	sld [smem:$0x3FBA]  }
0x39: {  	_ = 	snop;
	(pc) =	sbr.ind lr, $3  }
0x3a: {  	_ = 	snop  }
0x3b: {  	_ = 	snop  }
0x3c: {  	p2 =	seq.s32 s10, $0x1;
	s10 =	sld [smem:$0x3FB9]  }
0x3d: {  	_ =	shalt  }
0x3e: {  	_ =	shalt  }
0x3f: {  	_ =	shalt  }
0x40: {  	_ =	shalt  }
0x41: {  	_ =	shalt  }
0x42: {  	_ =	shalt  }
0x43: {  	_ =	shalt  }
0x44: {  	_ =	shalt  }
0x45: {  	_ =	shalt  }
0x46: {  	_ =	shalt  }
0x47: {  	_ =	shalt  }
0x48: {  	_ =	shalt  }
0x49: {  	_ =	shalt  }
0x4a: {  	_ =	shalt  }
0x4b: {  	_ =	shalt  }
0x4c: {  	_ =	shalt  }
0x4d: {  	_ =	shalt  }
0x4e: {  	_ =	shalt  }
0x4f: {  	_ =	shalt  }
0x50: {  	_ =	shalt  }
0x51: {  	_ =	shalt  }
0x52: {  	_ =	shalt  }
0x53: {  	_ =	shalt  }
0x54: {  	_ =	shalt  }
0x55: {  	_ =	shalt  }
0x56: {  	_ =	shalt  }
0x57: {  	_ =	shalt  }
0x58: {  	_ =	shalt  }
0x59: {  	_ =	shalt  }
0x5a: {  	_ =	shalt  }
0x5b: {  	_ =	shalt  }
0x5c: {  	_ =	shalt  }
0x5d: {  	_ =	shalt  }
0x5e: {  	_ =	shalt  }
0x5f: {  	_ =	shalt  }
0x60: {  	_ =	shalt  }
0x61: {  	_ =	shalt  }
0x62: {  	_ =	shalt  }
0x63: {  	_ =	shalt  }
0x64: {  	_ =	shalt  }
0x65: {  	_ =	shalt  }
0x66: {  	_ =	shalt  }
0x67: {  	_ =	shalt  }
0x68: {  	_ =	shalt  }
0x69: {  	_ =	shalt  }
0x6a: {  	_ =	shalt  }
0x6b: {  	_ =	shalt  }
0x6c: {  	_ =	shalt  }
0x6d: {  	_ =	shalt  }
0x6e: {  	_ =	shalt  }
0x6f: {  	_ =	shalt  }
0x70: {  	_ =	shalt  }
0x71: {  	_ =	shalt  }
0x72: {  	_ =	shalt  }
0x73: {  	_ =	shalt  }
0x74: {  	_ =	shalt  }
0x75: {  	_ =	shalt  }
0x76: {  	_ =	shalt  }
0x77: {  	_ =	shalt  }
0x78: {  	_ =	shalt  }
0x79: {  	_ =	shalt  }
0x7a: {  	_ =	shalt  }
0x7b: {  	_ =	shalt  }
0x7c: {  	_ =	shalt  }
0x7d: {  	_ =	shalt  }
0x7e: {  	_ =	shalt  }
0x7f: {  	_ =	shalt  }
0x80: {  	_ =	shalt  }
0x81: {  	_ =	shalt  }
0x82: {  	_ =	shalt  }
0x83: {  	_ =	shalt  }
0x84: {  	_ =	shalt  }
0x85: {  	_ =	shalt  }
0x86: {  	_ =	shalt  }
0x87: {  	_ =	shalt  }
.Lfunc_end0:
.L_simem_size_0:
called_computation_lowered:
.L_overlay_start_0:
0x88: {  	s2 =	sld [smem:$0x3FD9]  }
0x89: {  	s3 =	sld [smem:$0x3FFE];
	_ =	sdelay $0x1  }
0x8a: {  	s1 =	srdreg.scid  }
0x8b: {  	s0 =	sand.u32 $0x1, s1  }
0x8c: {  	s17 =	sshll.u32 s0, $0xA;
	s2 =	sadd.s32 s3, s2  }
0x8d: {  	s2 =	sadd.s32 s2, s17  }
0x8e: {  	[smem:$0x3FC5] =	sst s2  }
0x8f: {  	_ = 	snop  }
0x90: {  	s2 =	sld [smem:$0x3FD0];
	(tm) =	ssettm $0x1  }
0x91: {  	s18 =	sld [smem:$0x3FFB];
	_ =	sdelay $0x3  }
0x92: {  	_ =	strace s18  }
0x93: {  	s3 =	sld [smem:$0x3FFC];
	_ =	sdelay $0x3  }
0x94: {  	_ =	strace s3  }
0x95: {  	s3 =	sld [smem:$0x3FFD];
	_ =	sdelay $0x3  }
0x96: {  	_ =	strace s3  }
0x97: {  	_ =	strace $0x8FFFFFFF  }
0x98: {  	s19 =	sld [smem:$0x3FDB];
	_ =	sdelay $0x1  }
0x99: {  	s4 =	simm.s32 $_scs_section_size  }
0x9a: {  	s5 =	simm.s32 $_size__tile_overlayer_lowered;
	s6 =	simm.s32 $_tile_overlayer_lowered  }
0x9b: {  	s22 =	simm.s32 $0x1BFF;
	s21 =	sshll.u32 s6, $0x1;
	s3 =	sadd.s32 s4, s19  }
0x9c: {  	s7 =	simm.s32 $0x0;
	s20 =	sshll.u32 s5, $0x1;
	s5 =	sadd.s32 s21, s3  }
0x9d: {  	[timem:s7], [sflag:s22] =	dma.local [hbm:s5], s20  }
0x9e: {  	_ =	swait.ge [sflag:s22], s20  }
0x9f: {  	s4 =	ssub.s32 $0x0, s20;
	[sflag:s22] =	ssyncset.done $0x0  }
0xa0: {  	[sflag:s22] =	ssyncadd.s32 s4;
	_ =	sdelay $0x1  }
0xa1: {  	s23 =	simm.s32 $0x1B8B  }
0xa2: {  	_ =	swait.ge [sflag:s23], $0x1  }
0xa3: {  	[sflag:s23] =	ssyncset.done $0x0  }
0xa4: {  	s25 =	simm.s32 $0x1B8E;
	s24 =	sld [smem:$0x3FFE];
	[sflag:s23] =	ssyncadd.s32 $0xFFFFFFFF  }
0xa5: {  	s26 =	simm.s32 $execute0_lowered;
	[smem:$0x3FD2] =	sst s25  }
0xa6: {  	s5 =	sshll.u32 s26, $0x1;
	_ =	strace $0x80000046;
	[dreg:$0x1] =	wrdreg $0xFFFFFFFF  }
0xa7: {  	s28 =	simm.s32 $_size_execute0_lowered;
	s3 =	sadd.s32 s3, s5;
	[dreg:$0x0] =	wrdreg $0x0  }
0xa8: {  	s5 =	sshll.u32 s28, $0x1;
	[dreg:$0x2] =	wrdreg s3  }
0xa9: {  	[dreg:$0x3] =	wrdreg s5  }
0xaa: {  	[dreg:$0x4] =	wrdreg $0xC0  }
0xab: {  	_ =	task [dreg:s7], $0x5FFFF  }
0xac: {  	[dreg:$0x1] =	wrdreg $0xFFFFFFFF  }
0xad: {  	[dreg:$0x0] =	wrdreg $0x60  }
0xae: {  	[dreg:$0x2] =	wrdreg s2  }
0xaf: {  	[dreg:$0x3] =	wrdreg s24  }
0xb0: {  	[dreg:$0x4] =	wrdreg $0x2B000  }
0xb1: {  	[dreg:$0x5] =	wrdreg $0x9  }
0xb2: {  	_ =	task.clear_ibuf [dreg:s7], $0x6FFFF;
	_ =	strace $0x90000046  }
0xb3: {  	s29 =	simm.s32 $0x9;
	_ =	strace $0x80000048  }
0xb4: {  	_ =	swait.ge [sflag:s29], $0x1  }
0xb5: {  	[sflag:s29] =	ssyncadd.s32 $0xFFFFFFFF  }
0xb6: {  	_ =	strace $0x90000048  }
0xb7: {  	_ =	sfence  }
0xb8: {  	s30 =	sld [smem:$0x0];
	_ =	sdelay $0x2  }
0xb9: {  	s31 =	sshll.u32 s1, $0xD;
	s1 =	sshrl.u32 s1, $0x2  }
0xba: {  	s3 =	sand.u32 $0x4000, s31;
	s1 =	sadd.s32 s1, s30  }
0xbb: {  	s0 =	sor.u32 s3, s0;
	s1 =	sshll.u32 s1, $0x11  }
0xbc: {  	s0 =	sor.u32 s1, s0  }
0xbd: {  	s0 =	sadd.s32 $0x8F2B, s0  }
0xbe: {  	[sflag:s0] =	ssyncadd.remote.s32 $0x1  }
0xbf: {  	_ =	sfence.sel $0xFFFF  }
0xc0: {  	[dreg:$0x0] =	wrdreg $0xFFFFFFFF;
	(pc) =	sbr.abs _section_cstart, $3  }
0xc1: {  	[dreg:$0x1] =	wrdreg $0xFFFFFFFF  }
0xc2: {  	_ =	task.clear_ibuf [dreg:s7], $0x2FFFF;
	_ =	strace $0x9FFFFFFF  }
0xc3: {  	(tm) =	ssettm $0x7FFFFFFF  }
tec
execute0_lowered:
.L_overlay_start_1:
0x0: {  	(tag) =	ssettag $0x1  }
0x1: {  	s5 =	rddreg [dreg:$0x0]  }
0x2: {  	s4 =	rddreg [dreg:$0x1]  }
0x3: {  	s2 =	rddreg [dreg:$0x2]  }
0x4: {  	s0 =	rddreg [dreg:$0x3];
	s3 =	simm.s32 $0x0;
	s6 =	srdreg.scid  }
0x5: {  	s1 =	stileid.u32;
	s11 =	simm.s32 $0x2800;
	s12 =	simm.s32 $0x100  }
0x6: {  	s13 =	simm.s32 $0x0;
	[smem:$0x7FF] =	sst s3;
	s7 =	smul.u32 $0x500, s1  }
0x7: {  	s6 =	sand.u32 $0x1, s6;
	s9 =	smul.u32 $0xA00, s1;
	_ =	strace $0x80000047  }
0x8: {  	s8 =	sshll.u32 s6, $0x7;
	s31 =	sshll.u32 s6, $0x4;
	s6 =	ssub.s32 $0x2, s6  }
0x9: {  	s7 =	sor.u32 s8, s7;
	s8 =	sor.u32 s1, s31;
	s10 =	sshrl.u32 s6, $0x1  }
0xa: {  	s9 =	sshrl.u32 s9, $0x2;
	s7 =	sshrl.u32 s7, $0x3;
	s8 =	smul.u32 $0x500, s8  }
0xb: {  	s10 =	ssub.s32 s6, s10;
	s7 =	sadd.s32 s7, s4;
	s4 =	sadd.s32 s9, s2  }
0xc: {  	s9 =	simm.s32 $0x1;
	s5 =	sadd.s32 s5, s8;
	s6 =	sadd.s32 $0x1200, s7  }
0xd: {  	v0 =	vimm.f32 $1.000000000e+00;
	v1 =	vimm.f32 $0.0e+00;
	s7 =	smax.u32 s10, $0x1;
	s8 =	simm.s32 $0x2880;
	s10 =	simm.s32 $0x80  }
.LBB2_1:
0xe: {  	[tilespmem:$0x2800] =	vst v0  }
0xf: {  	[tilespmem:$0x2810] =	vst v0  }
0x10: {  	[tilespmem:$0x2820] =	vst v0  }
0x11: {  	[tilespmem:$0x2830] =	vst v0  }
0x12: {  	[tilespmem:$0x2840] =	vst v0  }
0x13: {  	[tilespmem:$0x2850] =	vst v0  }
0x14: {  	[tilespmem:$0x2860] =	vst v0  }
0x15: {  	[tilespmem:$0x2870] =	vst v0  }
0x16: {  	[tilespmem:$0x2880] =	vst v1  }
0x17: {  	[tilespmem:$0x2890] =	vst v1  }
0x18: {  	[tilespmem:$0x28A0] =	vst v1  }
0x19: {  	[tilespmem:$0x28B0] =	vst v1  }
0x1a: {  	[tilespmem:$0x28C0] =	vst v1  }
0x1b: {  	[tilespmem:$0x28D0] =	vst v1  }
0x1c: {  	[tilespmem:$0x28E0] =	vst v1  }
0x1d: {  	[tilespmem:$0x28F0] =	vst v1  }
0x1e: {  	[tilespmem:$0x2900] =	vst v1  }
0x1f: {  	[tilespmem:$0x2910] =	vst v1  }
0x20: {  	[tilespmem:$0x2920] =	vst v1  }
0x21: {  	[tilespmem:$0x2930] =	vst v1  }
0x22: {  	[tilespmem:$0x2940] =	vst v1  }
0x23: {  	[tilespmem:$0x2950] =	vst v1  }
0x24: {  	[tilespmem:$0x2960] =	vst v1  }
0x25: {  	[tilespmem:$0x2970] =	vst v1  }
0x26: {  	[tilespmem:$0x2980] =	vst v1  }
0x27: {  	[tilespmem:$0x2990] =	vst v1  }
0x28: {  	[tilespmem:$0x29A0] =	vst v1  }
0x29: {  	[tilespmem:$0x29B0] =	vst v1  }
0x2a: {  	[tilespmem:$0x29C0] =	vst v1  }
0x2b: {  	[tilespmem:$0x29D0] =	vst v1  }
0x2c: {  	[tilespmem:$0x29E0] =	vst v1  }
0x2d: {  	[tilespmem:$0x29F0] =	vst v1  }
0x2e: {  	[tilespmem:$0x2A00] =	vst v1  }
0x2f: {  	[tilespmem:$0x2A10] =	vst v1  }
0x30: {  	[tilespmem:$0x2A20] =	vst v1  }
0x31: {  	[tilespmem:$0x2A30] =	vst v1  }
0x32: {  	[tilespmem:$0x2A40] =	vst v1  }
0x33: {  	[tilespmem:$0x2A50] =	vst v1  }
0x34: {  	[tilespmem:$0x2A60] =	vst v1  }
0x35: {  	[tilespmem:$0x2A70] =	vst v1  }
0x36: {  	[tilespmem:$0x2A80] =	vst v1  }
0x37: {  	[tilespmem:$0x2A90] =	vst v1  }
0x38: {  	[tilespmem:$0x2AA0] =	vst v1  }
0x39: {  	[tilespmem:$0x2AB0] =	vst v1  }
0x3a: {  	[tilespmem:$0x2AC0] =	vst v1  }
0x3b: {  	[tilespmem:$0x2AD0] =	vst v1  }
0x3c: {  	[tilespmem:$0x2AE0] =	vst v1  }
0x3d: {  	[tilespmem:$0x2AF0] =	vst v1  }
0x3e: {  	[spmem:s4] =	stream.linear.scatter [tilespmem:s8], [sflag:$0x1], $0x280, $0x38;
	[tilespmem:$0x2D80] =	vst v63  }
0x3f: {  	_ =	swait.ge [sflag:s9], $0x280  }
0x40: {  	[sflag:s9] =	ssyncset.done $0x0  }
0x41: {  	[sflag:s9] =	ssyncadd.s32 $0xFFFFFD80  }
0x42: {  	[tilespmem:s3], [sflag:$0x1] =	stream.linear.gather [hbm4b:s5+s3], $0x2800, $0x38;
	[tilespmem:$0x2D80] =	vst v63  }
0x43: {  	_ =	swait.ge [sflag:s9], $0x2800  }
0x44: {  	[sflag:s9] =	ssyncset.done $0x0  }
0x45: {  	[sflag:s9] =	ssyncadd.s32 $0xFFFFD800  }
0x46: {  	s14 =	simm.s32 $0x0;
	[bflag:$0x0] =	sbarrier.arrive $0xFFFF  }
0x47: {  	[spmem:s2] =	stream.indirect.scatter.add.f32 [tilespmem:s11], [sflag:$0x1], $0x1, s14, s10, $0xb8;
	[tilespmem:$0x2D80] =	vst v63  }
0x48: {  	_ =	swait.ge [sflag:s9], $0x80  }
0x49: {  	s14 =	simm.s32 $0x200;
	[sflag:s9] =	ssyncset.done $0x0  }
.LBB2_2:
0x4a: {  	s15 =	sshra.s32 s14, $0x2;
	[sflag:s9] =	ssyncadd.s32 $0xFFFFFF80;
	p0 =	sne.s32 s14, $0x9E00  }
0x4b: {  	[spmem:s2] =	stream.indirect.scatter.add.f32 [tilespmem:s11], [sflag:$0x1], $0x1, s15, s10, $0xb8;
	[tilespmem:$0x2D80] =	vst v63  }
.Ltmp0:
0x4c: {  	_ = 	snop;
	(pc) =	sbr.rel @p0 .LBB2_2-.Ltmp0, $4  }
0x4d: {  	_ = 	snop  }
0x4e: {  	s14 =	sadd.s32 $0x200, s14  }
0x4f: {  	_ =	swait.ge [sflag:s9], $0x80  }
0x50: {  	[sflag:s9] =	ssyncset.done $0x0  }
0x51: {  	[sflag:s9] =	ssyncadd.s32 $0xFFFFFF80  }
0x52: {  	[bflag:$0x0] =	sbarrier.arrive $0xFFFF  }
0x53: {  	[tilespmem:s8], [sflag:$0x1] =	stream.linear.gather [spmem:s4], $0x280, $0x38;
	[tilespmem:$0x2D80] =	vst v63  }
0x54: {  	s13 =	sadd.s32 $0x1, s13;
	_ =	swait.ge [sflag:s9], $0x280  }
0x55: {  	p0 =	sne.s32 s13, s7;
	[sflag:s9] =	ssyncset.done $0x0  }
.Ltmp1:
0x56: {  	[sflag:s9] =	ssyncadd.s32 $0xFFFFFD80;
	(pc) =	sbr.rel @p0 .LBB2_1-.Ltmp1, $4  }
0x57: {  	[hbm4b:s6+s10] =	stream.strided.scatter [tilespmem:s8], [sflag:$0x1], $0x280, s12, s10, $0x38;
	[tilespmem:$0x2D80] =	vst v63  }
0x58: {  	_ =	swait.ge [sflag:s9], $0x280  }
0x59: {  	[sflag:s9] =	ssyncset.done $0x0  }
0x5a: {  	[sflag:s9] =	ssyncadd.s32 $0xFFFFFD80  }
0x5b: {  	_ =	sfence.sel $0x180000  }
0x5c: {  	[bflag:$0x0] =	sbarrier.arrive $0xFFFF  }
0x5d: {  	p0 =	sne.s32 s1, $0x0;
	_ =	strace $0x90000047  }
0x5e: {  	s0 =	sadd.s32 @!p0 $0x100000, s0;
	[bflag:$0x2] =	sbarrier.arrive $0xFFFF  }
0x5f: {  	[sflag:s0] =	ssyncadd.tile.s32 @!p0 $0x1;
	_ =	shalt  }
.Lfunc_end2:
_tile_overlayer_lowered:
.L_overlay_start_2:
0x60: {  	(tag) =	ssettag $0x2  }
0x61: {  	s0 =	rddreg [dreg:$0x0];
	s2 =	stileid.u32  }
0x62: {  	s1 =	rddreg [dreg:$0x1];
	p0 =	sne.s32 s2, $0x0  }
0x63: {  	s3 =	rddreg [dreg:$0x2];
	[bflag:$0x3] =	sbarrier.arrive $0xFFFF;
	s2 =	simm.s32 @!p0 $0x1C01  }
0x64: {  	[timem:s3], [sflag:s2] =	dma.local @!p0 [hbm:s0], s1  }
0x65: {  	s0 =	simm.s32 @!p0 $0x1  }
0x66: {  	_ =	swait.ge @!p0 [sflag:s0], s1  }
0x67: {  	s1 =	ssub.s32 @!p0 $0x0, s1;
	[sflag:s0] =	ssyncset.done @!p0 $0x0  }
0x68: {  	[sflag:s0] =	ssyncadd.s32 @!p0 s1  }
0x69: {  	[bflag:$0x3] =	sbarrier.arrive $0xFFFF  }
0x6a: {  	_ =	shalt  }

// kernel: kernel.9.cloned.1.call-start
scs
__scs_entry_jumppad:
0x0: {  	(pc) =	sbr.rel $0x88, $3  }
0x1: {  	(tag) =	ssettag $0x0;
	lr =	simm.s32 $0x1  }
0x2: {  	[smem:$0x3F9E] =	sst lr;
	_ =	strace $0xD0000000  }
0x3: {  	_ = 	snop  }
0x4: {  	_ = 	snop  }
0x5: {  	_ = 	snop  }
0x6: {  	_ = 	snop  }
0x7: {  	_ = 	snop  }
__scs_overlays_trampoline_lowered:
0x8: {  	[smem:$0x3FAD] =	sst s0  }
0x9: {  	[smem:$0x3FAE] =	sst s1  }
0xa: {  	[smem:$0x3FAF] =	sst s2  }
0xb: {  	[smem:$0x3FB0] =	sst s3  }
0xc: {  	[smem:$0x3FB1] =	sst s4  }
0xd: {  	[smem:$0x3FB2] =	sst s5  }
0xe: {  	[smem:$0x3FB3] =	sst s6  }
0xf: {  	[smem:$0x3FB4] =	sst s7  }
0x10: {  	[smem:$0x3FB5] =	sst s8  }
0x11: {  	[smem:$0x3FB6] =	sst s9;
	s0 =	simm.s32 @!p0 $0x0  }
0x12: {  	s1 =	sld [smem:$0x3F9C];
	s0 =	simm.s32 @p0 $0x1  }
0x13: {  	[smem:$0x3FB7] =	sst s0;
	s0 =	simm.s32 @!p1 $0x0  }
0x14: {  	s2 =	sld [smem:$0x3F9B];
	s0 =	simm.s32 @p1 $0x1  }
0x15: {  	[smem:$0x3FB8] =	sst s0;
	s0 =	simm.s32 @!p2 $0x0  }
0x16: {  	s3 =	sld [smem:$0x3FDB];
	s0 =	simm.s32 @p2 $0x1  }
0x17: {  	s4 =	simm.s32 $0x1BF5;
	[smem:$0x3FBA] =	sst s0  }
0x18: {  	s0 =	sld [smem:$0x3F9D];
	_ =	swait.ge [sflag:s4], $0x0  }
0x19: {  	s7 =	sld [smem:$0x3F9E]  }
0x1a: {  	s8 =	sadd.s32 $0xFFFFE003, lr  }
0x1b: {  	s9 =	sadd.s32 $0xFFFFFEF7, lr;
	s5 =	simm.s32 $0xFFFFFFFF;
	p2 =	slt.u32 s8, $0xFFFFF086  }
0x1c: {  	p1 =	slt.u32 s9, $0xF7A;
	s5 =	simm.s32 @!p2 $0x0  }
0x1d: {  	s5 =	simm.s32 @p1 $0x1;
	p0 =	seq.s32 s7, s2  }
0x1e: {  	s7 =	smul.u32 @!p0 $0xF7A, s2;
	p2 =	seq.s32 @!p0 s5, $0x0  }
0x1f: {  	s9 =	smul.u32 $0xF7A, s1;
	s8 =	simm.s32 @!p0 $0x1BF5;
	p2 =	por !p2, p0  }
0x20: {  	[sflag:s8] =	ssyncset.s32 @!p0 $0xFFFFF086;
	s6 =	sadd.s32 @!p0 s3, s7;
	s7 =	simm.s32 @!p0 $0x108  }
0x21: {  	s3 =	sadd.s32 s3, s9;
	s6 =	sadd.s32 @!p0 $0x88, s6;
	s7 =	simm.s32 @p2 $0x1082  }
0x22: {  	[simem:s7], [sflag:s8] =	dma.local @!p0 [hbm:s6], $0xF7A  }
0x23: {  	s9 =	sor.u32 $0xD0000000, s2;
	s6 =	simm.s32 $0x108;
	_ =	swait.ge @!p0 [sflag:s8], $0x0  }
0x24: {  	s3 =	sadd.s32 $0x88, s3;
	s6 =	simm.s32 @!p1 $0x1082;
	[sflag:s4] =	ssyncset.s32 $0xFFFFF086  }
0x25: {  	[simem:s6], [sflag:s4] =	dma.local [hbm:s3], $0xF7A  }
0x26: {  	[smem:$0x3F9E] =	sst s1;
	(tag) =	ssettag s2;
	_ =	strace s9  }
0x27: {  	s1 =	sld [smem:$0x3FAE]  }
0x28: {  	s2 =	sld [smem:$0x3FAF]  }
0x29: {  	s4 =	sld [smem:$0x3FB1]  }
0x2a: {  	p0 =	seq.s32 s5, $0x0;
	s5 =	sld [smem:$0x3FB2]  }
0x2b: {  	s6 =	sld [smem:$0x3FB3]  }
0x2c: {  	s7 =	sld [smem:$0x3FB4]  }
0x2d: {  	s3 =	simm.s32 $0x108;
	s8 =	sld [smem:$0x3FB5]  }
0x2e: {  	s3 =	simm.s32 @!p0 $0x1082;
	s9 =	sld [smem:$0x3FB6]  }
0x2f: {  	lr =	sadd.s32 s0, s3;
	s0 =	sld [smem:$0x3FAD]  }
0x30: {  	s3 =	sld [smem:$0x3FB0]  }
0x31: {  	[smem:$0x3FB9] =	sst s10  }
0x32: {  	s10 =	sld [smem:$0x3FB7];
	_ =	sdelay $0x3  }
0x33: {  	p0 =	seq.s32 s10, $0x1;
	s10 =	sld [smem:$0x3FB9];
	_ =	sdelay $0x3  }
0x34: {  	[smem:$0x3FB9] =	sst s10  }
0x35: {  	s10 =	sld [smem:$0x3FB8];
	_ =	sdelay $0x3  }
0x36: {  	p1 =	seq.s32 s10, $0x1;
	s10 =	sld [smem:$0x3FB9];
	_ =	sdelay $0x3  }
0x37: {  	[smem:$0x3FB9] =	sst s10  }
0x38: {  	s10 =	sld [smem:$0x3FBA]  }
0x39: {  	_ = 	snop;
	(pc) =	sbr.ind lr, $3  }
0x3a: {  	_ = 	snop  }
0x3b: {  	_ = 	snop  }
0x3c: {  	p2 =	seq.s32 s10, $0x1;
	s10 =	sld [smem:$0x3FB9]  }
0x3d: {  	_ =	shalt  }
0x3e: {  	_ =	shalt  }
0x3f: {  	_ =	shalt  }
0x40: {  	_ =	shalt  }
0x41: {  	_ =	shalt  }
0x42: {  	_ =	shalt  }
0x43: {  	_ =	shalt  }
0x44: {  	_ =	shalt  }
0x45: {  	_ =	shalt  }
0x46: {  	_ =	shalt  }
0x47: {  	_ =	shalt  }
0x48: {  	_ =	shalt  }
0x49: {  	_ =	shalt  }
0x4a: {  	_ =	shalt  }
0x4b: {  	_ =	shalt  }
0x4c: {  	_ =	shalt  }
0x4d: {  	_ =	shalt  }
0x4e: {  	_ =	shalt  }
0x4f: {  	_ =	shalt  }
0x50: {  	_ =	shalt  }
0x51: {  	_ =	shalt  }
0x52: {  	_ =	shalt  }
0x53: {  	_ =	shalt  }
0x54: {  	_ =	shalt  }
0x55: {  	_ =	shalt  }
0x56: {  	_ =	shalt  }
0x57: {  	_ =	shalt  }
0x58: {  	_ =	shalt  }
0x59: {  	_ =	shalt  }
0x5a: {  	_ =	shalt  }
0x5b: {  	_ =	shalt  }
0x5c: {  	_ =	shalt  }
0x5d: {  	_ =	shalt  }
0x5e: {  	_ =	shalt  }
0x5f: {  	_ =	shalt  }
0x60: {  	_ =	shalt  }
0x61: {  	_ =	shalt  }
0x62: {  	_ =	shalt  }
0x63: {  	_ =	shalt  }
0x64: {  	_ =	shalt  }
0x65: {  	_ =	shalt  }
0x66: {  	_ =	shalt  }
0x67: {  	_ =	shalt  }
0x68: {  	_ =	shalt  }
0x69: {  	_ =	shalt  }
0x6a: {  	_ =	shalt  }
0x6b: {  	_ =	shalt  }
0x6c: {  	_ =	shalt  }
0x6d: {  	_ =	shalt  }
0x6e: {  	_ =	shalt  }
0x6f: {  	_ =	shalt  }
0x70: {  	_ =	shalt  }
0x71: {  	_ =	shalt  }
0x72: {  	_ =	shalt  }
0x73: {  	_ =	shalt  }
0x74: {  	_ =	shalt  }
0x75: {  	_ =	shalt  }
0x76: {  	_ =	shalt  }
0x77: {  	_ =	shalt  }
0x78: {  	_ =	shalt  }
0x79: {  	_ =	shalt  }
0x7a: {  	_ =	shalt  }
0x7b: {  	_ =	shalt  }
0x7c: {  	_ =	shalt  }
0x7d: {  	_ =	shalt  }
0x7e: {  	_ =	shalt  }
0x7f: {  	_ =	shalt  }
0x80: {  	_ =	shalt  }
0x81: {  	_ =	shalt  }
0x82: {  	_ =	shalt  }
0x83: {  	_ =	shalt  }
0x84: {  	_ =	shalt  }
0x85: {  	_ =	shalt  }
0x86: {  	_ =	shalt  }
0x87: {  	_ =	shalt  }
.Lfunc_end0:
.L_simem_size_0:
called_computation.1_lowered:
.L_overlay_start_0:
0x88: {  	s2 =	sld [smem:$0x3FD9]  }
0x89: {  	s3 =	sld [smem:$0x3FFE];
	_ =	sdelay $0x1  }
0x8a: {  	s1 =	srdreg.scid  }
0x8b: {  	s0 =	sand.u32 $0x1, s1  }
0x8c: {  	s16 =	sshll.u32 s0, $0xA;
	s2 =	sadd.s32 s3, s2  }
0x8d: {  	s2 =	sadd.s32 s2, s16  }
0x8e: {  	[smem:$0x3FC5] =	sst s2  }
0x8f: {  	_ = 	snop  }
0x90: {  	(tm) =	ssettm $0x1  }
0x91: {  	s17 =	sld [smem:$0x3FFB];
	_ =	sdelay $0x3  }
0x92: {  	_ =	strace s17  }
0x93: {  	s2 =	sld [smem:$0x3FFC];
	_ =	sdelay $0x3  }
0x94: {  	_ =	strace s2  }
0x95: {  	s2 =	sld [smem:$0x3FFD];
	_ =	sdelay $0x3  }
0x96: {  	_ =	strace s2  }
0x97: {  	_ =	strace $0x8FFFFFFF  }
0x98: {  	s18 =	sld [smem:$0x3FDB];
	_ =	sdelay $0x1  }
0x99: {  	s19 =	simm.s32 $_scs_section_size  }
0x9a: {  	s4 =	simm.s32 $_size__tile_overlayer_lowered;
	s5 =	simm.s32 $_tile_overlayer_lowered  }
0x9b: {  	s22 =	simm.s32 $0x1BFF;
	s21 =	sshll.u32 s5, $0x1;
	s2 =	sadd.s32 s19, s18  }
0x9c: {  	s6 =	simm.s32 $0x0;
	s20 =	sshll.u32 s4, $0x1;
	s4 =	sadd.s32 s21, s2  }
0x9d: {  	[timem:s6], [sflag:s22] =	dma.local [hbm:s4], s20  }
0x9e: {  	_ =	swait.ge [sflag:s22], s20  }
0x9f: {  	s3 =	ssub.s32 $0x0, s20;
	[sflag:s22] =	ssyncset.done $0x0  }
0xa0: {  	[sflag:s22] =	ssyncadd.s32 s3;
	_ =	sdelay $0x1  }
0xa1: {  	s23 =	simm.s32 $0x1B8B  }
0xa2: {  	_ =	swait.ge [sflag:s23], $0x1  }
0xa3: {  	[sflag:s23] =	ssyncset.done $0x0  }
0xa4: {  	s25 =	simm.s32 $0x1B8E;
	s24 =	sld [smem:$0x3FFE];
	[sflag:s23] =	ssyncadd.s32 $0xFFFFFFFF  }
0xa5: {  	s26 =	simm.s32 $execute0_lowered;
	[smem:$0x3FD2] =	sst s25  }
0xa6: {  	s4 =	sshll.u32 s26, $0x1;
	_ =	strace $0x80000049;
	[dreg:$0x1] =	wrdreg $0xFFFFFFFF  }
0xa7: {  	s28 =	simm.s32 $_size_execute0_lowered;
	s2 =	sadd.s32 s2, s4;
	[dreg:$0x0] =	wrdreg $0x0  }
0xa8: {  	s4 =	sshll.u32 s28, $0x1;
	[dreg:$0x2] =	wrdreg s2  }
0xa9: {  	[dreg:$0x3] =	wrdreg s4  }
0xaa: {  	[dreg:$0x4] =	wrdreg $0xC0  }
0xab: {  	_ =	task [dreg:s6], $0x5FFFF  }
0xac: {  	[dreg:$0x1] =	wrdreg $0xFFFFFFFF  }
0xad: {  	[dreg:$0x0] =	wrdreg $0x60  }
0xae: {  	[dreg:$0x2] =	wrdreg s24  }
0xaf: {  	[dreg:$0x3] =	wrdreg $0x110000  }
0xb0: {  	[dreg:$0x4] =	wrdreg $0x9  }
0xb1: {  	_ =	task.clear_ibuf [dreg:s6], $0x5FFFF;
	_ =	strace $0x90000049  }
0xb2: {  	s29 =	simm.s32 $0x9;
	_ =	strace $0x8000004B  }
0xb3: {  	_ =	swait.ge [sflag:s29], $0x1  }
0xb4: {  	[sflag:s29] =	ssyncadd.s32 $0xFFFFFFFF  }
0xb5: {  	_ =	strace $0x9000004B  }
0xb6: {  	_ =	sfence  }
0xb7: {  	s30 =	sld [smem:$0x0];
	_ =	sdelay $0x2  }
0xb8: {  	s31 =	sshll.u32 s1, $0xD;
	s1 =	sshrl.u32 s1, $0x2  }
0xb9: {  	s3 =	sand.u32 $0x4000, s31;
	s1 =	sadd.s32 s1, s30  }
0xba: {  	s0 =	sor.u32 s3, s0;
	s1 =	sshll.u32 s1, $0x11  }
0xbb: {  	s0 =	sor.u32 s1, s0  }
0xbc: {  	s0 =	sadd.s32 $0x8F2B, s0  }
0xbd: {  	[sflag:s0] =	ssyncadd.remote.s32 $0x1  }
0xbe: {  	_ =	sfence.sel $0xFFFF  }
0xbf: {  	[dreg:$0x0] =	wrdreg $0xFFFFFFFF;
	(pc) =	sbr.abs _section_cstart, $3  }
0xc0: {  	[dreg:$0x1] =	wrdreg $0xFFFFFFFF  }
0xc1: {  	_ =	task.clear_ibuf [dreg:s6], $0x2FFFF;
	_ =	strace $0x9FFFFFFF  }
0xc2: {  	(tm) =	ssettm $0x7FFFFFFF  }
0xc3: {  	_ =	shalt  }
tec
execute0_lowered:
.L_overlay_start_1:
0x0: {  	(tag) =	ssettag $0x1  }
0x1: {  	s0 =	srdreg.scid;
	s1 =	rddreg [dreg:$0x0]  }
0x2: {  	s7 =	stileid.u32;
	s2 =	rddreg [dreg:$0x1]  }
0x3: {  	s19 =	simm.s32 $0x4;
	s20 =	simm.s32 $0x80;
	s5 =	smul.u32 $0x28000, s7  }
0x4: {  	s24 =	simm.s32 $0x0;
	s0 =	sand.u32 $0x1, s0;
	s10 =	smul.u32 $0xA000, s7  }
0x5: {  	s3 =	sshll.u32 s0, $0x4;
	s6 =	ssub.s32 $0x2, s0;
	s0 =	smul.u32 $0xA0000, s0  }
0x6: {  	s4 =	sor.u32 s7, s3;
	s3 =	simm.s32 $0x0;
	s30 =	sshrl.u32 s6, $0x1  }
0x7: {  	s5 =	sshrl.u32 s5, $0x2;
	s12 =	sadd.s32 $0x2000, s10;
	s14 =	sadd.s32 $0x4000, s10  }
0x8: {  	s15 =	sadd.s32 $0x6000, s10;
	s16 =	sadd.s32 $0x8000, s10;
	s4 =	smul.u32 $0x500, s4  }
0x9: {  	[smem:$0x7FF] =	sst s3;
	s17 =	ssub.s32 s6, s30;
	s5 =	sadd.s32 s5, s2  }
0xa: {  	s6 =	sadd.s32 s12, s2;
	s7 =	sadd.s32 s14, s2;
	s8 =	sadd.s32 s15, s2  }
0xb: {  	s9 =	sadd.s32 s16, s2;
	s13 =	sadd.s32 s10, s0;
	s18 =	sadd.s32 s0, s12  }
0xc: {  	s14 =	sadd.s32 s0, s14;
	s15 =	sadd.s32 s0, s15;
	s0 =	sadd.s32 s0, s16  }
0xd: {  	_ =	strace $0x8000004A;
	s13 =	sshrl.u32 s13, $0x3;
	s31 =	sshrl.u32 s18, $0x3  }
0xe: {  	s14 =	sshrl.u32 s14, $0x3;
	s15 =	sshrl.u32 s15, $0x3;
	s0 =	sshrl.u32 s0, $0x3  }
0xf: {  	s17 =	smax.u32 s17, $0x1;
	s18 =	simm.s32 $0x5000;
	s11 =	sadd.s32 s4, s1  }
0x10: {  	s4 =	sadd.s32 $0x15C00, s1;
	s1 =	sadd.s32 $0x65C00, s1;
	s10 =	sadd.s32 $0xBC00, s11  }
0x11: {  	s11 =	sadd.s32 $0x1C00, s11;
	s12 =	sadd.s32 s1, s13;
	s13 =	sadd.s32 s1, s31  }
0x12: {  	v0 =	vimm.f32 $0.0e+00;
	s14 =	sadd.s32 s1, s14;
	s15 =	sadd.s32 s1, s15;
	s16 =	sadd.s32 s1, s0  }
.LBB2_1:
0x13: {  	s1 =	simm.s32 $0x0;
	s0 =	simm.s32 $0x200  }
.LBB2_2:
0x14: {  	p0 =	sne.s32 s0, $0x7E00;
	[tilespmem:s1+$0x5070] =	vst v0  }
0x15: {  	[tilespmem:s1+$0x5000] =	vst v0  }
0x16: {  	[tilespmem:s1+$0x5010] =	vst v0  }
.Ltmp0:
0x17: {  	[tilespmem:s1+$0x5020] =	vst v0;
	(pc) =	sbr.rel @p0 .LBB2_2-.Ltmp0, $4  }
0x18: {  	[tilespmem:s1+$0x5030] =	vst v0  }
0x19: {  	[tilespmem:s1+$0x5040] =	vst v0  }
0x1a: {  	[tilespmem:s1+$0x5050] =	vst v0  }
0x1b: {  	[tilespmem:s1+$0x5060] =	vst v0;
	s1 =	sshra.s32 s0, $0x2;
	s0 =	sadd.s32 $0x200, s0  }
0x1c: {  	[tilespmem:s1+$0x5070] =	vst v0  }
0x1d: {  	[tilespmem:s1+$0x5000] =	vst v0  }
0x1e: {  	[tilespmem:s1+$0x5010] =	vst v0  }
0x1f: {  	[tilespmem:s1+$0x5020] =	vst v0  }
0x20: {  	[tilespmem:s1+$0x5030] =	vst v0  }
0x21: {  	[tilespmem:s1+$0x5040] =	vst v0  }
0x22: {  	[tilespmem:s1+$0x5050] =	vst v0  }
0x23: {  	[tilespmem:s1+$0x5060] =	vst v0  }
0x24: {  	[spmem:s5] =	stream.linear.scatter [tilespmem:s18], [sflag:$0x4], $0x2000, $0x38;
	[tilespmem:$0x1B000] =	vst v63  }
0x25: {  	_ =	swait.ge [sflag:s19], $0x2000  }
0x26: {  	[sflag:s19] =	ssyncset.done $0x0  }
0x27: {  	[sflag:s19] =	ssyncadd.s32 $0xFFFFE000  }
0x28: {  	[spmem:s6] =	stream.linear.scatter [tilespmem:s18], [sflag:$0x4], $0x2000, $0x38;
	[tilespmem:$0x1B000] =	vst v63  }
0x29: {  	_ =	swait.ge [sflag:s19], $0x2000  }
0x2a: {  	[sflag:s19] =	ssyncset.done $0x0  }
0x2b: {  	[sflag:s19] =	ssyncadd.s32 $0xFFFFE000  }
0x2c: {  	[spmem:s7] =	stream.linear.scatter [tilespmem:s18], [sflag:$0x4], $0x2000, $0x38;
	[tilespmem:$0x1B000] =	vst v63  }
0x2d: {  	_ =	swait.ge [sflag:s19], $0x2000  }
0x2e: {  	[sflag:s19] =	ssyncset.done $0x0  }
0x2f: {  	[sflag:s19] =	ssyncadd.s32 $0xFFFFE000  }
0x30: {  	[spmem:s8] =	stream.linear.scatter [tilespmem:s18], [sflag:$0x4], $0x2000, $0x38;
	[tilespmem:$0x1B000] =	vst v63  }
0x31: {  	_ =	swait.ge [sflag:s19], $0x2000  }
0x32: {  	[sflag:s19] =	ssyncset.done $0x0  }
0x33: {  	[sflag:s19] =	ssyncadd.s32 $0xFFFFE000  }
0x34: {  	[spmem:s9] =	stream.linear.scatter [tilespmem:s18], [sflag:$0x4], $0x2000, $0x38;
	[tilespmem:$0x1B000] =	vst v63  }
0x35: {  	_ =	swait.ge [sflag:s19], $0x2000  }
0x36: {  	[sflag:s19] =	ssyncset.done $0x0  }
0x37: {  	s0 =	simm.s32 $0x0;
	[sflag:s19] =	ssyncadd.s32 $0xFFFFE000  }
0x38: {  	[tilespmem:s0], [sflag:$0x4] =	stream.linear.gather [hbm4b:s10+s0], $0x2800, $0x38;
	[tilespmem:$0x1B000] =	vst v63  }
0x39: {  	_ =	swait.ge [sflag:s19], $0x2800  }
0x3a: {  	[sflag:s19] =	ssyncset.done $0x0  }
0x3b: {  	s29 =	simm.s32 $0x2800;
	[sflag:s19] =	ssyncadd.s32 $0xFFFFD800  }
0x3c: {  	[tilespmem:s29], [sflag:$0x4] =	stream.linear.gather [hbm4b:s11+s0], $0x2800, $0x38;
	[tilespmem:$0x1B000] =	vst v63  }
0x3d: {  	_ =	swait.ge [sflag:s19], $0x2800  }
0x3e: {  	[sflag:s19] =	ssyncset.done $0x0  }
0x3f: {  	[sflag:s19] =	ssyncadd.s32 $0xFFFFD800  }
0x40: {  	[bflag:$0x0] =	sbarrier.arrive $0xFFFF  }
0x41: {  	[tilespmem:s18], [sflag:$0x1] =	stream.indirect.gather [hbm4b:s4+s20], $0x80, s0, s20, $0xb8;
	[tilespmem:$0x1B000] =	vst v63  }
0x42: {  	s21 =	simm.s32 $0x9000;
	s0 =	smul.u32 $0xAB, s0  }
0x43: {  	[tilespmem:s21], [sflag:$0x2] =	stream.indirect.gather [hbm4b:s4+s20], $0x80, s20, s20, $0xb8;
	[tilespmem:$0x1B000] =	vst v63  }
0x44: {  	s0 =	sshrl.u32 s0, $0x9  }
0x45: {  	s0 =	sand.u32 $0x7F, s0  }
0x46: {  	s22 =	simm.s32 $0x100;
	s21 =	simm.s32 $0xD000;
	s0 =	smul.u32 $0x3, s0  }
0x47: {  	[tilespmem:s21], [sflag:$0x3] =	stream.indirect.gather [hbm4b:s4+s20], $0x80, s22, s20, $0xb8;
	[tilespmem:$0x1B000] =	vst v63  }
0x48: {  	s25 =	simm.s32 $0x1;
	s0 =	ssub.s32 $0x0, s0  }
0x49: {  	s23 =	smul.u32 $0xAB, s25;
	s0 =	sand.u32 $0xFF, s0  }
0x4a: {  	s26 =	simm.s32 $0x180;
	s30 =	simm.s32 $0x2;
	s28 =	sadd.s32 $0x1, s0  }
0x4b: {  	p0 =	por $0x0, $0x0;
	s1 =	sshrl.u32 s23, $0x9;
	_ =	swait.ge [sflag:s28], $0x4000  }
0x4c: {  	s31 =	sand.u32 $0x7F, s1;
	s0 =	sshll.u32 s0, $0xE;
	[sflag:s28] =	ssyncset.done $0x0  }
0x4d: {  	s1 =	sadd.s32 $0x5000, s0;
	s0 =	smul.u32 $0x3, s31;
	[sflag:s28] =	ssyncadd.s32 $0xFFFFC000  }
0x4e: {  	[spmem:s2] =	stream.indirect.scatter.add.f32 [tilespmem:s1], [sflag:$0x4], $0x80, s29, s20, $0xb8;
	[tilespmem:$0x1B000] =	vst v63  }
0x4f: {  	s31 =	simm.s32 $0x180;
	s29 =	simm.s32 $0x2880;
	_ =	swait.ge [sflag:s19], $0x4000  }
.LBB2_4:
0x50: {  	[sflag:s19] =	ssyncset.done $0x0;
	s26 =	sadd.s32 $0x80, s26  }
0x51: {  	s21 =	smov.u32 s25;
	s25 =	smov.u32 s30;
	s30 =	sadd.s32 $0x1, s30  }
0x52: {  	p1 =	sne.s32 s30, $0x50;
	s0 =	ssub.s32 s21, s0;
	[sflag:s19] =	ssyncadd.s32 $0xFFFFC000  }
0x53: {  	s22 =	simm.s32 @!p0 $0x80;
	s0 =	sand.u32 $0xFF, s0  }
0x54: {  	s23 =	sshll.u32 s0, $0xE;
	s0 =	sadd.s32 $0x1, s0  }
0x55: {  	[tilespmem:s1], [sflag:s28] =	stream.indirect.gather @!p0 [hbm4b:s4+s22], $0x80, s31, s22, $0xb8;
	[tilespmem:$0x1B000] =	vst v63  }
0x56: {  	s1 =	smul.u32 $0xAB, s25;
	s31 =	smov.u32 s26;
	s28 =	smov.u32 s0  }
.Ltmp1:
0x57: {  	_ =	swait.ge [sflag:s28], $0x4000;
	(pc) =	sbr.rel @p1 .LBB2_4-.Ltmp1, $4  }
0x58: {  	p0 =	sgt.u32 s21, $0x4C;
	s0 =	sshrl.u32 s1, $0x9;
	[sflag:s28] =	ssyncset.done $0x0  }
0x59: {  	s1 =	sadd.s32 $0x5000, s23;
	s0 =	sand.u32 $0x7F, s0;
	[sflag:s28] =	ssyncadd.s32 $0xFFFFC000  }
0x5a: {  	[spmem:s2] =	stream.indirect.scatter.add.f32 [tilespmem:s1], [sflag:$0x4], $0x80, s29, s20, $0xb8;
	[tilespmem:$0x1B000] =	vst v63  }
0x5b: {  	s0 =	smul.u32 $0x3, s0;
	s29 =	sadd.s32 $0x80, s29;
	_ =	swait.ge [sflag:s19], $0x4000  }
0x5c: {  	[sflag:s19] =	ssyncset.done $0x0  }
0x5d: {  	s21 =	simm.s32 @!p0 $0x80;
	[sflag:s19] =	ssyncadd.s32 $0xFFFFC000;
	s0 =	ssub.s32 s25, s0  }
0x5e: {  	[tilespmem:s1], [sflag:s28] =	stream.indirect.gather @!p0 [hbm4b:s4+s21], $0x80, s31, s21, $0xb8;
	[tilespmem:$0x1B000] =	vst v63  }
0x5f: {  	s0 =	sand.u32 $0xFF, s0  }
0x60: {  	s1 =	sadd.s32 $0x1, s0  }
0x61: {  	_ =	swait.ge [sflag:s1], $0x4000  }
0x62: {  	s0 =	sshll.u32 s0, $0xE;
	[sflag:s1] =	ssyncset.done $0x0  }
0x63: {  	s0 =	sadd.s32 $0x5000, s0;
	[sflag:s1] =	ssyncadd.s32 $0xFFFFC000  }
0x64: {  	[spmem:s2] =	stream.indirect.scatter.add.f32 [tilespmem:s0], [sflag:$0x4], $0x80, s29, s20, $0xb8;
	[tilespmem:$0x1B000] =	vst v63  }
0x65: {  	_ =	swait.ge [sflag:s19], $0x4000  }
0x66: {  	p0 =	sgt.u32 s25, $0x4C;
	[sflag:s19] =	ssyncset.done $0x0  }
0x67: {  	s21 =	sadd.s32 $0x80, s26;
	s22 =	simm.s32 @!p0 $0x80;
	[sflag:s19] =	ssyncadd.s32 $0xFFFFC000  }
0x68: {  	[tilespmem:s0], [sflag:s1] =	stream.indirect.gather @!p0 [hbm4b:s4+s22], $0x80, s21, s22, $0xb8;
	[tilespmem:$0x1B000] =	vst v63  }
0x69: {  	[bflag:$0x0] =	sbarrier.arrive $0xFFFF  }
0x6a: {  	[tilespmem:s18], [sflag:$0x4] =	stream.linear.gather [spmem:s5], $0x2000, $0x38;
	[tilespmem:$0x1B000] =	vst v63  }
0x6b: {  	_ =	swait.ge [sflag:s19], $0x2000  }
0x6c: {  	[sflag:s19] =	ssyncset.done $0x0  }
0x6d: {  	[sflag:s19] =	ssyncadd.s32 $0xFFFFE000  }
0x6e: {  	[hbm4b:s12+s3] =	stream.linear.scatter [tilespmem:s18], [sflag:$0x4], $0x2000, $0x38;
	[tilespmem:$0x1B000] =	vst v63  }
0x6f: {  	_ =	swait.ge [sflag:s19], $0x2000  }
0x70: {  	[sflag:s19] =	ssyncset.done $0x0  }
0x71: {  	[sflag:s19] =	ssyncadd.s32 $0xFFFFE000  }
0x72: {  	[tilespmem:s18], [sflag:$0x4] =	stream.linear.gather [spmem:s6], $0x2000, $0x38;
	[tilespmem:$0x1B000] =	vst v63  }
0x73: {  	_ =	swait.ge [sflag:s19], $0x2000  }
0x74: {  	[sflag:s19] =	ssyncset.done $0x0  }
0x75: {  	[sflag:s19] =	ssyncadd.s32 $0xFFFFE000  }
0x76: {  	[hbm4b:s13+s3] =	stream.linear.scatter [tilespmem:s18], [sflag:$0x4], $0x2000, $0x38;
	[tilespmem:$0x1B000] =	vst v63  }
0x77: {  	_ =	swait.ge [sflag:s19], $0x2000  }
0x78: {  	[sflag:s19] =	ssyncset.done $0x0  }
0x79: {  	[sflag:s19] =	ssyncadd.s32 $0xFFFFE000  }
0x7a: {  	[tilespmem:s18], [sflag:$0x4] =	stream.linear.gather [spmem:s7], $0x2000, $0x38;
	[tilespmem:$0x1B000] =	vst v63  }
0x7b: {  	_ =	swait.ge [sflag:s19], $0x2000  }
0x7c: {  	[sflag:s19] =	ssyncset.done $0x0  }
0x7d: {  	[sflag:s19] =	ssyncadd.s32 $0xFFFFE000  }
0x7e: {  	[hbm4b:s14+s3] =	stream.linear.scatter [tilespmem:s18], [sflag:$0x4], $0x2000, $0x38;
	[tilespmem:$0x1B000] =	vst v63  }
0x7f: {  	_ =	swait.ge [sflag:s19], $0x2000  }
0x80: {  	[sflag:s19] =	ssyncset.done $0x0  }
0x81: {  	[sflag:s19] =	ssyncadd.s32 $0xFFFFE000  }
0x82: {  	[tilespmem:s18], [sflag:$0x4] =	stream.linear.gather [spmem:s8], $0x2000, $0x38;
	[tilespmem:$0x1B000] =	vst v63  }
0x83: {  	_ =	swait.ge [sflag:s19], $0x2000  }
0x84: {  	[sflag:s19] =	ssyncset.done $0x0  }
0x85: {  	[sflag:s19] =	ssyncadd.s32 $0xFFFFE000  }
0x86: {  	[hbm4b:s15+s3] =	stream.linear.scatter [tilespmem:s18], [sflag:$0x4], $0x2000, $0x38;
	[tilespmem:$0x1B000] =	vst v63  }
0x87: {  	_ =	swait.ge [sflag:s19], $0x2000  }
0x88: {  	[sflag:s19] =	ssyncset.done $0x0  }
0x89: {  	[sflag:s19] =	ssyncadd.s32 $0xFFFFE000  }
0x8a: {  	[tilespmem:s18], [sflag:$0x4] =	stream.linear.gather [spmem:s9], $0x2000, $0x38;
	[tilespmem:$0x1B000] =	vst v63  }
0x8b: {  	s24 =	sadd.s32 $0x1, s24;
	_ =	swait.ge [sflag:s19], $0x2000  }
0x8c: {  	p0 =	sne.s32 s24, s17;
	[sflag:s19] =	ssyncset.done $0x0  }
.Ltmp2:
0x8d: {  	[sflag:s19] =	ssyncadd.s32 $0xFFFFE000;
	(pc) =	sbr.rel @p0 .LBB2_1-.Ltmp2, $4  }
0x8e: {  	[hbm4b:s16+s3] =	stream.linear.scatter [tilespmem:s18], [sflag:$0x4], $0x2000, $0x38;
	[tilespmem:$0x1B000] =	vst v63  }
0x8f: {  	_ =	swait.ge [sflag:s19], $0x2000  }
0x90: {  	[sflag:s19] =	ssyncset.done $0x0  }
0x91: {  	[sflag:s19] =	ssyncadd.s32 $0xFFFFE000  }
0x92: {  	_ =	sfence.sel $0x180000  }
0x93: {  	[bflag:$0x0] =	sbarrier.arrive $0xFFFF  }
0x94: {  	_ =	strace $0x9000004A  }
0x95: {  	s0 =	stileid.u32;
	[bflag:$0x2] =	sbarrier.arrive $0xFFFF  }
0x96: {  	p0 =	sne.s32 s0, $0x0;
	s0 =	rddreg [dreg:$0x2]  }
0x97: {  	s0 =	sadd.s32 @!p0 $0x100000, s0  }
0x98: {  	[sflag:s0] =	ssyncadd.tile.s32 @!p0 $0x1;
	_ =	shalt  }
.Lfunc_end2:
_tile_overlayer_lowered:
.L_overlay_start_2:
0x99: {  	(tag) =	ssettag $0x2  }
0x9a: {  	s0 =	rddreg [dreg:$0x0];
	s2 =	stileid.u32  }
0x9b: {  	s1 =	rddreg [dreg:$0x1];
	p0 =	sne.s32 s2, $0x0  }
0x9c: {  	s3 =	rddreg [dreg:$0x2];
	[bflag:$0x3] =	sbarrier.arrive $0xFFFF;
	s2 =	simm.s32 @!p0 $0x1C04  }
0x9d: {  	[timem:s3], [sflag:s2] =	dma.local @!p0 [hbm:s0], s1  }
0x9e: {  	s0 =	simm.s32 @!p0 $0x4  }
0x9f: {  	_ =	swait.ge @!p0 [sflag:s0], s1  }
0xa0: {  	s1 =	ssub.s32 @!p0 $0x0, s1;
	[sflag:s0] =	ssyncset.done @!p0 $0x0  }
0xa1: {  	[sflag:s0] =	ssyncadd.s32 @!p0 s1  }
0xa2: {  	[bflag:$0x3] =	sbarrier.arrive $0xFFFF  }
0xa3: {  	_ =	shalt  }

</sc_bundles>
